<compile_context>
chip_gen: v7x
topology: tpu7x:2x2x1
jax: 0.10.2.dev20260603
libtpu: 0.0.44.dev20260713+nightly
codegen_flags: <defaults>
</compile_context>

<pallas_src>
import jax
import jax.numpy as jnp
from jax import lax
from jax.experimental import pallas as pl
from jax.experimental.pallas import tpu as pltpu
from jax.experimental.pallas import tpu_sc as plsc

B = 4096
L = 50
NF = 5
CONT = 8
LARGE_DIM = 64
SMALL_DIM = 16
LANES = 16

NC = 2
NS = 16
W = NC * NS
UPW = B // W
SPW = UPW * L
CH = 128
NCH = SPW // CH
GR = CH // LANES


def _sc_kernel(iidx_hbm, icont_hbm, uidx_hbm, ucont_hbm,
               ut0, ut1, ut2, ut3, ut4,
               it0, it1, it2, it3, it4,
               out_hbm,
               idx_v, uidx_v, u0v, u1v, u2v, u3v, u4v, ucontv,
               rows0, rows1, rows2, rows3, rows4, icontv,
               accb, outv, sem):
    wid = lax.axis_index("s") * NC + lax.axis_index("c")

    pltpu.sync_copy(iidx_hbm.at[wid], idx_v)
    pltpu.sync_copy(uidx_hbm.at[wid], uidx_v)
    pltpu.sync_copy(ucont_hbm.at[wid], ucontv)

    pltpu.async_copy(ut0.at[uidx_v.at[0]], u0v, sem).wait()
    pltpu.async_copy(ut1.at[uidx_v.at[1]], u1v, sem).wait()
    pltpu.async_copy(ut2.at[uidx_v.at[2]], u2v, sem).wait()
    pltpu.async_copy(ut3.at[uidx_v.at[3]], u3v, sem).wait()
    pltpu.async_copy(ut4.at[uidx_v.at[4]], u4v, sem).wait()

    def chunk_body(g, _):
        pltpu.async_copy(it0.at[idx_v.at[0, g]], rows0, sem).wait()
        pltpu.async_copy(it1.at[idx_v.at[1, g]], rows1, sem).wait()
        pltpu.async_copy(it2.at[idx_v.at[2, g]], rows2, sem).wait()
        pltpu.async_copy(it3.at[idx_v.at[3, g]], rows3, sem).wait()
        pltpu.async_copy(it4.at[idx_v.at[4, g]], rows4, sem).wait()
        pltpu.sync_copy(icont_hbm.at[wid, g], icontv)

        def slot_body(j, _):
            lu = (g * CH + j) // L
            acc = ucontv[lu] * icontv[j]
            acc += u0v[lu, pl.ds(0, 16)] * rows0[j, pl.ds(0, 16)]
            acc += u0v[lu, pl.ds(16, 16)] * rows0[j, pl.ds(16, 16)]
            acc += u0v[lu, pl.ds(32, 16)] * rows0[j, pl.ds(32, 16)]
            acc += u0v[lu, pl.ds(48, 16)] * rows0[j, pl.ds(48, 16)]
            acc += u1v[lu] * rows1[j]
            acc += u2v[lu] * rows2[j]
            acc += u3v[lu] * rows3[j]
            acc += u4v[lu] * rows4[j]
            accb[pl.ds(j * LANES, LANES)] = acc
            return 0

        lax.fori_loop(0, CH, slot_body, 0, unroll=2)

        def red_body(k, _):
            rowbase = (k * LANES + lax.iota(jnp.int32, LANES)) * LANES
            tot = jnp.zeros((LANES,), jnp.float32)
            for c in range(LANES):
                tot = tot + plsc.load_gather(accb, [rowbase + c])
            outv[pl.ds(g * CH + k * LANES, LANES)] = tot
            return 0

        lax.fori_loop(0, GR, red_body, 0)
        return 0

    lax.fori_loop(0, NCH, chunk_body, 0)

    pltpu.sync_copy(outv, out_hbm.at[wid])


@jax.jit
def kernel(user_sparse, item_sparse, user_cont, item_cont,
           user_t0, user_t1, user_t2, user_t3, user_t4,
           item_t0, item_t1, item_t2, item_t3, item_t4):
    iidx = (item_sparse.reshape(B * L, NF)
            .reshape(W, NCH, CH, NF)
            .transpose(0, 3, 1, 2))
    icont = jnp.pad(item_cont.reshape(B * L, CONT),
                    ((0, 0), (0, LANES - CONT)))
    icont = icont.reshape(W, NCH, CH, LANES)
    uidx = user_sparse.reshape(W, UPW, NF).transpose(0, 2, 1)
    ucont = jnp.pad(user_cont, ((0, 0), (0, LANES - CONT)))
    ucont = ucont.reshape(W, UPW, LANES)

    mesh = plsc.VectorSubcoreMesh(core_axis_name="c", subcore_axis_name="s")
    run = pl.kernel(
        _sc_kernel,
        mesh=mesh,
        compiler_params=pltpu.CompilerParams(needs_layout_passes=False,
                                             use_tc_tiling_on_sc=False),
        out_type=jax.ShapeDtypeStruct((W, SPW), jnp.float32),
        scratch_types=[
            pltpu.VMEM((NF, NCH, CH), jnp.int32),
            pltpu.VMEM((NF, UPW), jnp.int32),
            pltpu.VMEM((UPW, LARGE_DIM), jnp.float32),
            pltpu.VMEM((UPW, SMALL_DIM), jnp.float32),
            pltpu.VMEM((UPW, SMALL_DIM), jnp.float32),
            pltpu.VMEM((UPW, SMALL_DIM), jnp.float32),
            pltpu.VMEM((UPW, SMALL_DIM), jnp.float32),
            pltpu.VMEM((UPW, LANES), jnp.float32),
            pltpu.VMEM((CH, LARGE_DIM), jnp.float32),
            pltpu.VMEM((CH, SMALL_DIM), jnp.float32),
            pltpu.VMEM((CH, SMALL_DIM), jnp.float32),
            pltpu.VMEM((CH, SMALL_DIM), jnp.float32),
            pltpu.VMEM((CH, SMALL_DIM), jnp.float32),
            pltpu.VMEM((CH, LANES), jnp.float32),
            pltpu.VMEM((CH * LANES,), jnp.float32),
            pltpu.VMEM((SPW,), jnp.float32),
            pltpu.SemaphoreType.DMA,
        ],
    )
    out = run(iidx, icont, uidx, ucont,
              user_t0, user_t1, user_t2, user_t3, user_t4,
              item_t0, item_t1, item_t2, item_t3, item_t4)
    return out.reshape(B, L)

# --- scband reference (transcript-rebuilt; emitter-appended) ---
"""Pipeline reference for scband-base-model-15650860826669 (READ-ONLY COPY).

The authoritative reference and input builder live on the scoring server;
editing this copy changes nothing except your own understanding.
"""

import jax, jax.numpy as jnp
import numpy as np

B = 4096
L = 50
NU = 5
NI = 5
CONT = 8
LARGE_VOCAB = 1000000
SMALL_VOCAB = 100000
LARGE_DIM = 64
SMALL_DIM = 16


def setup_inputs(seed: int = 0) -> dict:
    key = jax.random.key(seed)
    ks = jax.random.split(key, 16)
    inp = {}
    inp["user_sparse"] = jax.random.randint(ks[0], (B, NU), 0, SMALL_VOCAB, dtype=jnp.int32)
    inp["item_sparse"] = jax.random.randint(ks[1], (B, L, NI), 0, SMALL_VOCAB, dtype=jnp.int32)
    inp["user_cont"] = jax.random.normal(ks[2], (B, CONT), dtype=jnp.float32)
    inp["item_cont"] = jax.random.normal(ks[3], (B, L, CONT), dtype=jnp.float32)
    # embedding tables (learned params), sized per cardinality/init_kwargs
    inp["user_t0"] = jax.random.normal(ks[4], (LARGE_VOCAB, LARGE_DIM), dtype=jnp.float32) * 0.01
    inp["user_t1"] = jax.random.normal(ks[5], (SMALL_VOCAB, SMALL_DIM), dtype=jnp.float32) * 0.01
    inp["user_t2"] = jax.random.normal(ks[6], (SMALL_VOCAB, SMALL_DIM), dtype=jnp.float32) * 0.01
    inp["user_t3"] = jax.random.normal(ks[7], (SMALL_VOCAB, SMALL_DIM), dtype=jnp.float32) * 0.01
    inp["user_t4"] = jax.random.normal(ks[8], (SMALL_VOCAB, SMALL_DIM), dtype=jnp.float32) * 0.01
    inp["item_t0"] = jax.random.normal(ks[9], (LARGE_VOCAB, LARGE_DIM), dtype=jnp.float32) * 0.01
    inp["item_t1"] = jax.random.normal(ks[10], (SMALL_VOCAB, SMALL_DIM), dtype=jnp.float32) * 0.01
    inp["item_t2"] = jax.random.normal(ks[11], (SMALL_VOCAB, SMALL_DIM), dtype=jnp.float32) * 0.01
    inp["item_t3"] = jax.random.normal(ks[12], (SMALL_VOCAB, SMALL_DIM), dtype=jnp.float32) * 0.01
    inp["item_t4"] = jax.random.normal(ks[13], (SMALL_VOCAB, SMALL_DIM), dtype=jnp.float32) * 0.01
    return inp


def reference(user_sparse, item_sparse, user_cont, item_cont,
              user_t0, user_t1, user_t2, user_t3, user_t4,
              item_t0, item_t1, item_t2, item_t3, item_t4):
    user_tables = [user_t0, user_t1, user_t2, user_t3, user_t4]
    item_tables = [item_t0, item_t1, item_t2, item_t3, item_t4]
    # embed(): concat continuous feats with per-field embedding lookups
    user_emb_feat = user_cont
    for i in range(NU):
        user_emb_feat = jnp.concatenate(
            [user_emb_feat, jnp.take(user_tables[i], user_sparse[:, i], axis=0)], axis=-1)
    item_emb_feat = item_cont
    for i in range(NI):
        item_emb_feat = jnp.concatenate(
            [item_emb_feat, jnp.take(item_tables[i], item_sparse[:, :, i], axis=0)], axis=-1)
    # tile user features across the item (candidate) axis
    user_emb_feat = jnp.tile(user_emb_feat[:, None], (1, item_emb_feat.shape[1], 1))
    # predict() is abstract in BaseModel; instantiated here as the canonical
    # two-tower inner-product scorer (user_input_dim == item_input_dim == 136)
    logit_matrix = jnp.sum(user_emb_feat * item_emb_feat, axis=-1)
    return logit_matrix

if __name__ == "__main__":
    import jax
    _d = setup_inputs()
    print(jax.jit(kernel)(*tuple(_d.values())))

</pallas_src>

<mosaic_0001>
#map = affine_map<(d0, d1) -> (0, 0, 0, 0)>
#map1 = affine_map<(d0, d1) -> (0, 0, 0)>
#map2 = affine_map<(d0, d1) -> (0, 0)>
module attributes {stable_mosaic.version = 14 : i64} {
  func.func @_sc_kernel(%arg0: i32, %arg1: i32, %arg2: memref<32x5x50x128xi32, #tpu.memory_space<hbm>>, %arg3: memref<32x50x128x16xf32, #tpu.memory_space<hbm>>, %arg4: memref<32x5x128xi32, #tpu.memory_space<hbm>>, %arg5: memref<32x128x16xf32, #tpu.memory_space<hbm>>, %arg6: memref<1000000x64xf32, #tpu.memory_space<hbm>>, %arg7: memref<100000x16xf32, #tpu.memory_space<hbm>>, %arg8: memref<100000x16xf32, #tpu.memory_space<hbm>>, %arg9: memref<100000x16xf32, #tpu.memory_space<hbm>>, %arg10: memref<100000x16xf32, #tpu.memory_space<hbm>>, %arg11: memref<1000000x64xf32, #tpu.memory_space<hbm>>, %arg12: memref<100000x16xf32, #tpu.memory_space<hbm>>, %arg13: memref<100000x16xf32, #tpu.memory_space<hbm>>, %arg14: memref<100000x16xf32, #tpu.memory_space<hbm>>, %arg15: memref<100000x16xf32, #tpu.memory_space<hbm>>, %arg16: memref<32x6400xf32, #tpu.memory_space<hbm>>, %arg17: memref<5x50x128xi32, #tpu.memory_space<vmem>>, %arg18: memref<5x128xi32, #tpu.memory_space<vmem>>, %arg19: memref<128x64xf32, #tpu.memory_space<vmem>>, %arg20: memref<128x16xf32, #tpu.memory_space<vmem>>, %arg21: memref<128x16xf32, #tpu.memory_space<vmem>>, %arg22: memref<128x16xf32, #tpu.memory_space<vmem>>, %arg23: memref<128x16xf32, #tpu.memory_space<vmem>>, %arg24: memref<128x16xf32, #tpu.memory_space<vmem>>, %arg25: memref<128x64xf32, #tpu.memory_space<vmem>>, %arg26: memref<128x16xf32, #tpu.memory_space<vmem>>, %arg27: memref<128x16xf32, #tpu.memory_space<vmem>>, %arg28: memref<128x16xf32, #tpu.memory_space<vmem>>, %arg29: memref<128x16xf32, #tpu.memory_space<vmem>>, %arg30: memref<128x16xf32, #tpu.memory_space<vmem>>, %arg31: memref<2048xf32, #tpu.memory_space<vmem>>, %arg32: memref<6400xf32, #tpu.memory_space<vmem>>, %arg33: memref<!tpu.dma_semaphore, #tpu.memory_space<semaphore_mem>>) attributes {dimension_semantics = [#tpu.dimension_semantics<core_parallel>, #tpu.dimension_semantics<subcore_parallel>], iteration_bounds = array<i64: 2, 16>, scalar_prefetch = 0 : i64, scratch_operands = 17 : i64, tpu.core_type = #tpu.core_type<sc_vector_subcore>, window_params = [{transform_indices = #map}, {transform_indices = #map}, {transform_indices = #map1}, {transform_indices = #map1}, {transform_indices = #map2}, {transform_indices = #map2}, {transform_indices = #map2}, {transform_indices = #map2}, {transform_indices = #map2}, {transform_indices = #map2}, {transform_indices = #map2}, {transform_indices = #map2}, {transform_indices = #map2}, {transform_indices = #map2}, {transform_indices = #map2}]} {
    %mul3A = arith.constant 2 : i32
    %mul3A_0 = arith.muli %arg1, %mul3A : i32
    %add3A = arith.addi %mul3A_0, %arg0 : i32
    "tpu.region"() ({
      %run_scoped3A = tpu.sem_alloc : memref<!tpu.dma_semaphore, #tpu.memory_space<semaphore_mem>>
      %dma_start3A_75 = arith.constant 0 : i32
      %dma_start3A_76 = arith.constant 0 : i32
      %dma_start3A_77 = arith.constant 0 : i32
      %dma_start3A_78 = tpu.memref_slice %arg2[%add3A, %dma_start3A_75, %dma_start3A_76, %dma_start3A_77] : memref<32x5x50x128xi32, #tpu.memory_space<hbm>> -> memref<1x5x50x128xi32, #tpu.memory_space<hbm>>
      %dma_start3A_79 = tpu.memref_squeeze %dma_start3A_78 : memref<1x5x50x128xi32, #tpu.memory_space<hbm>> -> memref<5x50x128xi32, #tpu.memory_space<hbm>>
      %dma_start3A_80 = arith.constant 0 : i32
      %dma_start3A_81 = arith.constant 0 : i32
      %dma_start3A_82 = arith.constant 0 : i32
      %dma_start3A_83 = tpu.memref_slice %arg2[%add3A, %dma_start3A_80, %dma_start3A_81, %dma_start3A_82] : memref<32x5x50x128xi32, #tpu.memory_space<hbm>> -> memref<1x5x50x128xi32, #tpu.memory_space<hbm>>
      %dma_start3A_84 = tpu.memref_squeeze %dma_start3A_83 : memref<1x5x50x128xi32, #tpu.memory_space<hbm>> -> memref<5x50x128xi32, #tpu.memory_space<hbm>>
      tpu.enqueue_dma source(%dma_start3A_84 : memref<5x50x128xi32, #tpu.memory_space<hbm>>) target(%arg17 : memref<5x50x128xi32, #tpu.memory_space<vmem>>) target_semaphore(%run_scoped3A : memref<!tpu.dma_semaphore, #tpu.memory_space<semaphore_mem>>)
      %dma_wait3A_85 = arith.constant 0 : i32
      %dma_wait3A_86 = arith.constant 0 : i32
      %dma_wait3A_87 = arith.constant 0 : i32
      %dma_wait3A_88 = tpu.memref_slice %arg2[%add3A, %dma_wait3A_85, %dma_wait3A_86, %dma_wait3A_87] : memref<32x5x50x128xi32, #tpu.memory_space<hbm>> -> memref<1x5x50x128xi32, #tpu.memory_space<hbm>>
      %dma_wait3A_89 = tpu.memref_squeeze %dma_wait3A_88 : memref<1x5x50x128xi32, #tpu.memory_space<hbm>> -> memref<5x50x128xi32, #tpu.memory_space<hbm>>
      %dma_wait3A_90 = arith.constant 0 : i32
      %dma_wait3A_91 = arith.constant 0 : i32
      %dma_wait3A_92 = arith.constant 0 : i32
      %dma_wait3A_93 = tpu.memref_slice %arg2[%add3A, %dma_wait3A_90, %dma_wait3A_91, %dma_wait3A_92] : memref<32x5x50x128xi32, #tpu.memory_space<hbm>> -> memref<1x5x50x128xi32, #tpu.memory_space<hbm>>
      %dma_wait3A_94 = tpu.memref_squeeze %dma_wait3A_93 : memref<1x5x50x128xi32, #tpu.memory_space<hbm>> -> memref<5x50x128xi32, #tpu.memory_space<hbm>>
      tpu.wait_dma2 semaphore(%run_scoped3A : memref<!tpu.dma_semaphore, #tpu.memory_space<semaphore_mem>>) src(%dma_wait3A_94 : memref<5x50x128xi32, #tpu.memory_space<hbm>>) dst(%arg17 : memref<5x50x128xi32, #tpu.memory_space<vmem>>)
      tpu.yield
    }) : () -> ()
    "tpu.region"() ({
      %run_scoped3A = tpu.sem_alloc : memref<!tpu.dma_semaphore, #tpu.memory_space<semaphore_mem>>
      %dma_start3A_75 = arith.constant 0 : i32
      %dma_start3A_76 = arith.constant 0 : i32
      %dma_start3A_77 = tpu.memref_slice %arg4[%add3A, %dma_start3A_75, %dma_start3A_76] : memref<32x5x128xi32, #tpu.memory_space<hbm>> -> memref<1x5x128xi32, #tpu.memory_space<hbm>>
      %dma_start3A_78 = tpu.memref_squeeze %dma_start3A_77 : memref<1x5x128xi32, #tpu.memory_space<hbm>> -> memref<5x128xi32, #tpu.memory_space<hbm>>
      %dma_start3A_79 = arith.constant 0 : i32
      %dma_start3A_80 = arith.constant 0 : i32
      %dma_start3A_81 = tpu.memref_slice %arg4[%add3A, %dma_start3A_79, %dma_start3A_80] : memref<32x5x128xi32, #tpu.memory_space<hbm>> -> memref<1x5x128xi32, #tpu.memory_space<hbm>>
      %dma_start3A_82 = tpu.memref_squeeze %dma_start3A_81 : memref<1x5x128xi32, #tpu.memory_space<hbm>> -> memref<5x128xi32, #tpu.memory_space<hbm>>
      tpu.enqueue_dma source(%dma_start3A_82 : memref<5x128xi32, #tpu.memory_space<hbm>>) target(%arg18 : memref<5x128xi32, #tpu.memory_space<vmem>>) target_semaphore(%run_scoped3A : memref<!tpu.dma_semaphore, #tpu.memory_space<semaphore_mem>>)
      %dma_wait3A_83 = arith.constant 0 : i32
      %dma_wait3A_84 = arith.constant 0 : i32
      %dma_wait3A_85 = tpu.memref_slice %arg4[%add3A, %dma_wait3A_83, %dma_wait3A_84] : memref<32x5x128xi32, #tpu.memory_space<hbm>> -> memref<1x5x128xi32, #tpu.memory_space<hbm>>
      %dma_wait3A_86 = tpu.memref_squeeze %dma_wait3A_85 : memref<1x5x128xi32, #tpu.memory_space<hbm>> -> memref<5x128xi32, #tpu.memory_space<hbm>>
      %dma_wait3A_87 = arith.constant 0 : i32
      %dma_wait3A_88 = arith.constant 0 : i32
      %dma_wait3A_89 = tpu.memref_slice %arg4[%add3A, %dma_wait3A_87, %dma_wait3A_88] : memref<32x5x128xi32, #tpu.memory_space<hbm>> -> memref<1x5x128xi32, #tpu.memory_space<hbm>>
      %dma_wait3A_90 = tpu.memref_squeeze %dma_wait3A_89 : memref<1x5x128xi32, #tpu.memory_space<hbm>> -> memref<5x128xi32, #tpu.memory_space<hbm>>
      tpu.wait_dma2 semaphore(%run_scoped3A : memref<!tpu.dma_semaphore, #tpu.memory_space<semaphore_mem>>) src(%dma_wait3A_90 : memref<5x128xi32, #tpu.memory_space<hbm>>) dst(%arg18 : memref<5x128xi32, #tpu.memory_space<vmem>>)
      tpu.yield
    }) : () -> ()
    "tpu.region"() ({
      %run_scoped3A = tpu.sem_alloc : memref<!tpu.dma_semaphore, #tpu.memory_space<semaphore_mem>>
      %dma_start3A_75 = arith.constant 0 : i32
      %dma_start3A_76 = arith.constant 0 : i32
      %dma_start3A_77 = tpu.memref_slice %arg5[%add3A, %dma_start3A_75, %dma_start3A_76] : memref<32x128x16xf32, #tpu.memory_space<hbm>> -> memref<1x128x16xf32, #tpu.memory_space<hbm>>
      %dma_start3A_78 = tpu.memref_squeeze %dma_start3A_77 : memref<1x128x16xf32, #tpu.memory_space<hbm>> -> memref<128x16xf32, #tpu.memory_space<hbm>>
      %dma_start3A_79 = arith.constant 0 : i32
      %dma_start3A_80 = arith.constant 0 : i32
      %dma_start3A_81 = tpu.memref_slice %arg5[%add3A, %dma_start3A_79, %dma_start3A_80] : memref<32x128x16xf32, #tpu.memory_space<hbm>> -> memref<1x128x16xf32, #tpu.memory_space<hbm>>
      %dma_start3A_82 = tpu.memref_squeeze %dma_start3A_81 : memref<1x128x16xf32, #tpu.memory_space<hbm>> -> memref<128x16xf32, #tpu.memory_space<hbm>>
      tpu.enqueue_dma source(%dma_start3A_82 : memref<128x16xf32, #tpu.memory_space<hbm>>) target(%arg24 : memref<128x16xf32, #tpu.memory_space<vmem>>) target_semaphore(%run_scoped3A : memref<!tpu.dma_semaphore, #tpu.memory_space<semaphore_mem>>)
      %dma_wait3A_83 = arith.constant 0 : i32
      %dma_wait3A_84 = arith.constant 0 : i32
      %dma_wait3A_85 = tpu.memref_slice %arg5[%add3A, %dma_wait3A_83, %dma_wait3A_84] : memref<32x128x16xf32, #tpu.memory_space<hbm>> -> memref<1x128x16xf32, #tpu.memory_space<hbm>>
      %dma_wait3A_86 = tpu.memref_squeeze %dma_wait3A_85 : memref<1x128x16xf32, #tpu.memory_space<hbm>> -> memref<128x16xf32, #tpu.memory_space<hbm>>
      %dma_wait3A_87 = arith.constant 0 : i32
      %dma_wait3A_88 = arith.constant 0 : i32
      %dma_wait3A_89 = tpu.memref_slice %arg5[%add3A, %dma_wait3A_87, %dma_wait3A_88] : memref<32x128x16xf32, #tpu.memory_space<hbm>> -> memref<1x128x16xf32, #tpu.memory_space<hbm>>
      %dma_wait3A_90 = tpu.memref_squeeze %dma_wait3A_89 : memref<1x128x16xf32, #tpu.memory_space<hbm>> -> memref<128x16xf32, #tpu.memory_space<hbm>>
      tpu.wait_dma2 semaphore(%run_scoped3A : memref<!tpu.dma_semaphore, #tpu.memory_space<semaphore_mem>>) src(%dma_wait3A_90 : memref<128x16xf32, #tpu.memory_space<hbm>>) dst(%arg24 : memref<128x16xf32, #tpu.memory_space<vmem>>)
      tpu.yield
    }) : () -> ()
    %dma_start3A = arith.constant 0 : i32
    %dma_start3A_1 = arith.constant 0 : i32
    %dma_start3A_2 = tpu.memref_slice %arg18[%dma_start3A, %dma_start3A_1] : memref<5x128xi32, #tpu.memory_space<vmem>> -> memref<1x128xi32, #tpu.memory_space<vmem>>
    %dma_start3A_3 = tpu.memref_squeeze %dma_start3A_2 : memref<1x128xi32, #tpu.memory_space<vmem>> -> memref<128xi32, #tpu.memory_space<vmem>>
    %dma_start3A_4 = arith.constant 0 : i32
    %dma_start3A_5 = arith.constant 0 : i32
    %dma_start3A_6 = tpu.memref_slice %arg6[%dma_start3A_4, %dma_start3A_5] : memref<1000000x64xf32, #tpu.memory_space<hbm>> -> memref<1000000x64xf32, #tpu.memory_space<hbm>>
    tpu.enqueue_indirect_dma source(%dma_start3A_6 : memref<1000000x64xf32, #tpu.memory_space<hbm>>) target(%arg19 : memref<128x64xf32, #tpu.memory_space<vmem>>) offsets(%dma_start3A_3 : memref<128xi32, #tpu.memory_space<vmem>>) semaphore(%arg33 : memref<!tpu.dma_semaphore, #tpu.memory_space<semaphore_mem>>)
    %dma_wait3A = arith.constant 0 : i32
    %dma_wait3A_7 = arith.constant 0 : i32
    %dma_wait3A_8 = tpu.memref_slice %arg18[%dma_wait3A, %dma_wait3A_7] : memref<5x128xi32, #tpu.memory_space<vmem>> -> memref<1x128xi32, #tpu.memory_space<vmem>>
    %dma_wait3A_9 = tpu.memref_squeeze %dma_wait3A_8 : memref<1x128xi32, #tpu.memory_space<vmem>> -> memref<128xi32, #tpu.memory_space<vmem>>
    %dma_wait3A_10 = arith.constant 0 : i32
    %dma_wait3A_11 = arith.constant 0 : i32
    %dma_wait3A_12 = tpu.memref_slice %arg6[%dma_wait3A_10, %dma_wait3A_11] : memref<1000000x64xf32, #tpu.memory_space<hbm>> -> memref<1000000x64xf32, #tpu.memory_space<hbm>>
    tpu.wait_indirect_dma semaphore(%arg33 : memref<!tpu.dma_semaphore, #tpu.memory_space<semaphore_mem>>) src(%dma_wait3A_12 : memref<1000000x64xf32, #tpu.memory_space<hbm>>) dst(%arg19 : memref<128x64xf32, #tpu.memory_space<vmem>>)
    %dma_start3A_13 = arith.constant 1 : i32
    %dma_start3A_14 = arith.constant 0 : i32
    %dma_start3A_15 = tpu.memref_slice %arg18[%dma_start3A_13, %dma_start3A_14] : memref<5x128xi32, #tpu.memory_space<vmem>> -> memref<1x128xi32, #tpu.memory_space<vmem>>
    %dma_start3A_16 = tpu.memref_squeeze %dma_start3A_15 : memref<1x128xi32, #tpu.memory_space<vmem>> -> memref<128xi32, #tpu.memory_space<vmem>>
    %dma_start3A_17 = arith.constant 0 : i32
    %dma_start3A_18 = arith.constant 0 : i32
    %dma_start3A_19 = tpu.memref_slice %arg7[%dma_start3A_17, %dma_start3A_18] : memref<100000x16xf32, #tpu.memory_space<hbm>> -> memref<100000x16xf32, #tpu.memory_space<hbm>>
    tpu.enqueue_indirect_dma source(%dma_start3A_19 : memref<100000x16xf32, #tpu.memory_space<hbm>>) target(%arg20 : memref<128x16xf32, #tpu.memory_space<vmem>>) offsets(%dma_start3A_16 : memref<128xi32, #tpu.memory_space<vmem>>) semaphore(%arg33 : memref<!tpu.dma_semaphore, #tpu.memory_space<semaphore_mem>>)
    %dma_wait3A_20 = arith.constant 1 : i32
    %dma_wait3A_21 = arith.constant 0 : i32
    %dma_wait3A_22 = tpu.memref_slice %arg18[%dma_wait3A_20, %dma_wait3A_21] : memref<5x128xi32, #tpu.memory_space<vmem>> -> memref<1x128xi32, #tpu.memory_space<vmem>>
    %dma_wait3A_23 = tpu.memref_squeeze %dma_wait3A_22 : memref<1x128xi32, #tpu.memory_space<vmem>> -> memref<128xi32, #tpu.memory_space<vmem>>
    %dma_wait3A_24 = arith.constant 0 : i32
    %dma_wait3A_25 = arith.constant 0 : i32
    %dma_wait3A_26 = tpu.memref_slice %arg7[%dma_wait3A_24, %dma_wait3A_25] : memref<100000x16xf32, #tpu.memory_space<hbm>> -> memref<100000x16xf32, #tpu.memory_space<hbm>>
    tpu.wait_indirect_dma semaphore(%arg33 : memref<!tpu.dma_semaphore, #tpu.memory_space<semaphore_mem>>) src(%dma_wait3A_26 : memref<100000x16xf32, #tpu.memory_space<hbm>>) dst(%arg20 : memref<128x16xf32, #tpu.memory_space<vmem>>)
    %dma_start3A_27 = arith.constant 2 : i32
    %dma_start3A_28 = arith.constant 0 : i32
    %dma_start3A_29 = tpu.memref_slice %arg18[%dma_start3A_27, %dma_start3A_28] : memref<5x128xi32, #tpu.memory_space<vmem>> -> memref<1x128xi32, #tpu.memory_space<vmem>>
    %dma_start3A_30 = tpu.memref_squeeze %dma_start3A_29 : memref<1x128xi32, #tpu.memory_space<vmem>> -> memref<128xi32, #tpu.memory_space<vmem>>
    %dma_start3A_31 = arith.constant 0 : i32
    %dma_start3A_32 = arith.constant 0 : i32
    %dma_start3A_33 = tpu.memref_slice %arg8[%dma_start3A_31, %dma_start3A_32] : memref<100000x16xf32, #tpu.memory_space<hbm>> -> memref<100000x16xf32, #tpu.memory_space<hbm>>
    tpu.enqueue_indirect_dma source(%dma_start3A_33 : memref<100000x16xf32, #tpu.memory_space<hbm>>) target(%arg21 : memref<128x16xf32, #tpu.memory_space<vmem>>) offsets(%dma_start3A_30 : memref<128xi32, #tpu.memory_space<vmem>>) semaphore(%arg33 : memref<!tpu.dma_semaphore, #tpu.memory_space<semaphore_mem>>)
    %dma_wait3A_34 = arith.constant 2 : i32
    %dma_wait3A_35 = arith.constant 0 : i32
    %dma_wait3A_36 = tpu.memref_slice %arg18[%dma_wait3A_34, %dma_wait3A_35] : memref<5x128xi32, #tpu.memory_space<vmem>> -> memref<1x128xi32, #tpu.memory_space<vmem>>
    %dma_wait3A_37 = tpu.memref_squeeze %dma_wait3A_36 : memref<1x128xi32, #tpu.memory_space<vmem>> -> memref<128xi32, #tpu.memory_space<vmem>>
    %dma_wait3A_38 = arith.constant 0 : i32
    %dma_wait3A_39 = arith.constant 0 : i32
    %dma_wait3A_40 = tpu.memref_slice %arg8[%dma_wait3A_38, %dma_wait3A_39] : memref<100000x16xf32, #tpu.memory_space<hbm>> -> memref<100000x16xf32, #tpu.memory_space<hbm>>
    tpu.wait_indirect_dma semaphore(%arg33 : memref<!tpu.dma_semaphore, #tpu.memory_space<semaphore_mem>>) src(%dma_wait3A_40 : memref<100000x16xf32, #tpu.memory_space<hbm>>) dst(%arg21 : memref<128x16xf32, #tpu.memory_space<vmem>>)
    %dma_start3A_41 = arith.constant 3 : i32
    %dma_start3A_42 = arith.constant 0 : i32
    %dma_start3A_43 = tpu.memref_slice %arg18[%dma_start3A_41, %dma_start3A_42] : memref<5x128xi32, #tpu.memory_space<vmem>> -> memref<1x128xi32, #tpu.memory_space<vmem>>
    %dma_start3A_44 = tpu.memref_squeeze %dma_start3A_43 : memref<1x128xi32, #tpu.memory_space<vmem>> -> memref<128xi32, #tpu.memory_space<vmem>>
    %dma_start3A_45 = arith.constant 0 : i32
    %dma_start3A_46 = arith.constant 0 : i32
    %dma_start3A_47 = tpu.memref_slice %arg9[%dma_start3A_45, %dma_start3A_46] : memref<100000x16xf32, #tpu.memory_space<hbm>> -> memref<100000x16xf32, #tpu.memory_space<hbm>>
    tpu.enqueue_indirect_dma source(%dma_start3A_47 : memref<100000x16xf32, #tpu.memory_space<hbm>>) target(%arg22 : memref<128x16xf32, #tpu.memory_space<vmem>>) offsets(%dma_start3A_44 : memref<128xi32, #tpu.memory_space<vmem>>) semaphore(%arg33 : memref<!tpu.dma_semaphore, #tpu.memory_space<semaphore_mem>>)
    %dma_wait3A_48 = arith.constant 3 : i32
    %dma_wait3A_49 = arith.constant 0 : i32
    %dma_wait3A_50 = tpu.memref_slice %arg18[%dma_wait3A_48, %dma_wait3A_49] : memref<5x128xi32, #tpu.memory_space<vmem>> -> memref<1x128xi32, #tpu.memory_space<vmem>>
    %dma_wait3A_51 = tpu.memref_squeeze %dma_wait3A_50 : memref<1x128xi32, #tpu.memory_space<vmem>> -> memref<128xi32, #tpu.memory_space<vmem>>
    %dma_wait3A_52 = arith.constant 0 : i32
    %dma_wait3A_53 = arith.constant 0 : i32
    %dma_wait3A_54 = tpu.memref_slice %arg9[%dma_wait3A_52, %dma_wait3A_53] : memref<100000x16xf32, #tpu.memory_space<hbm>> -> memref<100000x16xf32, #tpu.memory_space<hbm>>
    tpu.wait_indirect_dma semaphore(%arg33 : memref<!tpu.dma_semaphore, #tpu.memory_space<semaphore_mem>>) src(%dma_wait3A_54 : memref<100000x16xf32, #tpu.memory_space<hbm>>) dst(%arg22 : memref<128x16xf32, #tpu.memory_space<vmem>>)
    %dma_start3A_55 = arith.constant 4 : i32
    %dma_start3A_56 = arith.constant 0 : i32
    %dma_start3A_57 = tpu.memref_slice %arg18[%dma_start3A_55, %dma_start3A_56] : memref<5x128xi32, #tpu.memory_space<vmem>> -> memref<1x128xi32, #tpu.memory_space<vmem>>
    %dma_start3A_58 = tpu.memref_squeeze %dma_start3A_57 : memref<1x128xi32, #tpu.memory_space<vmem>> -> memref<128xi32, #tpu.memory_space<vmem>>
    %dma_start3A_59 = arith.constant 0 : i32
    %dma_start3A_60 = arith.constant 0 : i32
    %dma_start3A_61 = tpu.memref_slice %arg10[%dma_start3A_59, %dma_start3A_60] : memref<100000x16xf32, #tpu.memory_space<hbm>> -> memref<100000x16xf32, #tpu.memory_space<hbm>>
    tpu.enqueue_indirect_dma source(%dma_start3A_61 : memref<100000x16xf32, #tpu.memory_space<hbm>>) target(%arg23 : memref<128x16xf32, #tpu.memory_space<vmem>>) offsets(%dma_start3A_58 : memref<128xi32, #tpu.memory_space<vmem>>) semaphore(%arg33 : memref<!tpu.dma_semaphore, #tpu.memory_space<semaphore_mem>>)
    %dma_wait3A_62 = arith.constant 4 : i32
    %dma_wait3A_63 = arith.constant 0 : i32
    %dma_wait3A_64 = tpu.memref_slice %arg18[%dma_wait3A_62, %dma_wait3A_63] : memref<5x128xi32, #tpu.memory_space<vmem>> -> memref<1x128xi32, #tpu.memory_space<vmem>>
    %dma_wait3A_65 = tpu.memref_squeeze %dma_wait3A_64 : memref<1x128xi32, #tpu.memory_space<vmem>> -> memref<128xi32, #tpu.memory_space<vmem>>
    %dma_wait3A_66 = arith.constant 0 : i32
    %dma_wait3A_67 = arith.constant 0 : i32
    %dma_wait3A_68 = tpu.memref_slice %arg10[%dma_wait3A_66, %dma_wait3A_67] : memref<100000x16xf32, #tpu.memory_space<hbm>> -> memref<100000x16xf32, #tpu.memory_space<hbm>>
    tpu.wait_indirect_dma semaphore(%arg33 : memref<!tpu.dma_semaphore, #tpu.memory_space<semaphore_mem>>) src(%dma_wait3A_68 : memref<100000x16xf32, #tpu.memory_space<hbm>>) dst(%arg23 : memref<128x16xf32, #tpu.memory_space<vmem>>)
    %scan3A = arith.constant 0 : i32
    %scan3A_69 = arith.constant 0 : i32
    %scan3A_70 = arith.constant 50 : i32
    %scan3A_71 = arith.addi %scan3A_69, %scan3A_70 : i32
    %scan3A_72 = arith.constant 1 : i32
    %scan3A_73 = scf.for %scan3A_75 = %scan3A_69 to %scan3A_71 step %scan3A_72 iter_args(%scan3A_76 = %scan3A) -> (i32)  : i32 {
      %dma_start3A_77 = arith.constant 0 : i32
      %dma_start3A_78 = arith.constant 0 : i32
      %dma_start3A_79 = tpu.memref_slice %arg17[%dma_start3A_77, %scan3A_75, %dma_start3A_78] : memref<5x50x128xi32, #tpu.memory_space<vmem>> -> memref<1x1x128xi32, #tpu.memory_space<vmem>>
      %dma_start3A_80 = tpu.memref_squeeze %dma_start3A_79 : memref<1x1x128xi32, #tpu.memory_space<vmem>> -> memref<128xi32, #tpu.memory_space<vmem>>
      %dma_start3A_81 = arith.constant 0 : i32
      %dma_start3A_82 = arith.constant 0 : i32
      %dma_start3A_83 = tpu.memref_slice %arg11[%dma_start3A_81, %dma_start3A_82] : memref<1000000x64xf32, #tpu.memory_space<hbm>> -> memref<1000000x64xf32, #tpu.memory_space<hbm>>
      tpu.enqueue_indirect_dma source(%dma_start3A_83 : memref<1000000x64xf32, #tpu.memory_space<hbm>>) target(%arg25 : memref<128x64xf32, #tpu.memory_space<vmem>>) offsets(%dma_start3A_80 : memref<128xi32, #tpu.memory_space<vmem>>) semaphore(%arg33 : memref<!tpu.dma_semaphore, #tpu.memory_space<semaphore_mem>>)
      %dma_wait3A_84 = arith.constant 0 : i32
      %dma_wait3A_85 = arith.constant 0 : i32
      %dma_wait3A_86 = tpu.memref_slice %arg17[%dma_wait3A_84, %scan3A_75, %dma_wait3A_85] : memref<5x50x128xi32, #tpu.memory_space<vmem>> -> memref<1x1x128xi32, #tpu.memory_space<vmem>>
      %dma_wait3A_87 = tpu.memref_squeeze %dma_wait3A_86 : memref<1x1x128xi32, #tpu.memory_space<vmem>> -> memref<128xi32, #tpu.memory_space<vmem>>
      %dma_wait3A_88 = arith.constant 0 : i32
      %dma_wait3A_89 = arith.constant 0 : i32
      %dma_wait3A_90 = tpu.memref_slice %arg11[%dma_wait3A_88, %dma_wait3A_89] : memref<1000000x64xf32, #tpu.memory_space<hbm>> -> memref<1000000x64xf32, #tpu.memory_space<hbm>>
      tpu.wait_indirect_dma semaphore(%arg33 : memref<!tpu.dma_semaphore, #tpu.memory_space<semaphore_mem>>) src(%dma_wait3A_90 : memref<1000000x64xf32, #tpu.memory_space<hbm>>) dst(%arg25 : memref<128x64xf32, #tpu.memory_space<vmem>>)
      %dma_start3A_91 = arith.constant 1 : i32
      %dma_start3A_92 = arith.constant 0 : i32
      %dma_start3A_93 = tpu.memref_slice %arg17[%dma_start3A_91, %scan3A_75, %dma_start3A_92] : memref<5x50x128xi32, #tpu.memory_space<vmem>> -> memref<1x1x128xi32, #tpu.memory_space<vmem>>
      %dma_start3A_94 = tpu.memref_squeeze %dma_start3A_93 : memref<1x1x128xi32, #tpu.memory_space<vmem>> -> memref<128xi32, #tpu.memory_space<vmem>>
      %dma_start3A_95 = arith.constant 0 : i32
      %dma_start3A_96 = arith.constant 0 : i32
      %dma_start3A_97 = tpu.memref_slice %arg12[%dma_start3A_95, %dma_start3A_96] : memref<100000x16xf32, #tpu.memory_space<hbm>> -> memref<100000x16xf32, #tpu.memory_space<hbm>>
      tpu.enqueue_indirect_dma source(%dma_start3A_97 : memref<100000x16xf32, #tpu.memory_space<hbm>>) target(%arg26 : memref<128x16xf32, #tpu.memory_space<vmem>>) offsets(%dma_start3A_94 : memref<128xi32, #tpu.memory_space<vmem>>) semaphore(%arg33 : memref<!tpu.dma_semaphore, #tpu.memory_space<semaphore_mem>>)
      %dma_wait3A_98 = arith.constant 1 : i32
      %dma_wait3A_99 = arith.constant 0 : i32
      %dma_wait3A_100 = tpu.memref_slice %arg17[%dma_wait3A_98, %scan3A_75, %dma_wait3A_99] : memref<5x50x128xi32, #tpu.memory_space<vmem>> -> memref<1x1x128xi32, #tpu.memory_space<vmem>>
      %dma_wait3A_101 = tpu.memref_squeeze %dma_wait3A_100 : memref<1x1x128xi32, #tpu.memory_space<vmem>> -> memref<128xi32, #tpu.memory_space<vmem>>
      %dma_wait3A_102 = arith.constant 0 : i32
      %dma_wait3A_103 = arith.constant 0 : i32
      %dma_wait3A_104 = tpu.memref_slice %arg12[%dma_wait3A_102, %dma_wait3A_103] : memref<100000x16xf32, #tpu.memory_space<hbm>> -> memref<100000x16xf32, #tpu.memory_space<hbm>>
      tpu.wait_indirect_dma semaphore(%arg33 : memref<!tpu.dma_semaphore, #tpu.memory_space<semaphore_mem>>) src(%dma_wait3A_104 : memref<100000x16xf32, #tpu.memory_space<hbm>>) dst(%arg26 : memref<128x16xf32, #tpu.memory_space<vmem>>)
      %dma_start3A_105 = arith.constant 2 : i32
      %dma_start3A_106 = arith.constant 0 : i32
      %dma_start3A_107 = tpu.memref_slice %arg17[%dma_start3A_105, %scan3A_75, %dma_start3A_106] : memref<5x50x128xi32, #tpu.memory_space<vmem>> -> memref<1x1x128xi32, #tpu.memory_space<vmem>>
      %dma_start3A_108 = tpu.memref_squeeze %dma_start3A_107 : memref<1x1x128xi32, #tpu.memory_space<vmem>> -> memref<128xi32, #tpu.memory_space<vmem>>
      %dma_start3A_109 = arith.constant 0 : i32
      %dma_start3A_110 = arith.constant 0 : i32
      %dma_start3A_111 = tpu.memref_slice %arg13[%dma_start3A_109, %dma_start3A_110] : memref<100000x16xf32, #tpu.memory_space<hbm>> -> memref<100000x16xf32, #tpu.memory_space<hbm>>
      tpu.enqueue_indirect_dma source(%dma_start3A_111 : memref<100000x16xf32, #tpu.memory_space<hbm>>) target(%arg27 : memref<128x16xf32, #tpu.memory_space<vmem>>) offsets(%dma_start3A_108 : memref<128xi32, #tpu.memory_space<vmem>>) semaphore(%arg33 : memref<!tpu.dma_semaphore, #tpu.memory_space<semaphore_mem>>)
      %dma_wait3A_112 = arith.constant 2 : i32
      %dma_wait3A_113 = arith.constant 0 : i32
      %dma_wait3A_114 = tpu.memref_slice %arg17[%dma_wait3A_112, %scan3A_75, %dma_wait3A_113] : memref<5x50x128xi32, #tpu.memory_space<vmem>> -> memref<1x1x128xi32, #tpu.memory_space<vmem>>
      %dma_wait3A_115 = tpu.memref_squeeze %dma_wait3A_114 : memref<1x1x128xi32, #tpu.memory_space<vmem>> -> memref<128xi32, #tpu.memory_space<vmem>>
      %dma_wait3A_116 = arith.constant 0 : i32
      %dma_wait3A_117 = arith.constant 0 : i32
      %dma_wait3A_118 = tpu.memref_slice %arg13[%dma_wait3A_116, %dma_wait3A_117] : memref<100000x16xf32, #tpu.memory_space<hbm>> -> memref<100000x16xf32, #tpu.memory_space<hbm>>
      tpu.wait_indirect_dma semaphore(%arg33 : memref<!tpu.dma_semaphore, #tpu.memory_space<semaphore_mem>>) src(%dma_wait3A_118 : memref<100000x16xf32, #tpu.memory_space<hbm>>) dst(%arg27 : memref<128x16xf32, #tpu.memory_space<vmem>>)
      %dma_start3A_119 = arith.constant 3 : i32
      %dma_start3A_120 = arith.constant 0 : i32
      %dma_start3A_121 = tpu.memref_slice %arg17[%dma_start3A_119, %scan3A_75, %dma_start3A_120] : memref<5x50x128xi32, #tpu.memory_space<vmem>> -> memref<1x1x128xi32, #tpu.memory_space<vmem>>
      %dma_start3A_122 = tpu.memref_squeeze %dma_start3A_121 : memref<1x1x128xi32, #tpu.memory_space<vmem>> -> memref<128xi32, #tpu.memory_space<vmem>>
      %dma_start3A_123 = arith.constant 0 : i32
      %dma_start3A_124 = arith.constant 0 : i32
      %dma_start3A_125 = tpu.memref_slice %arg14[%dma_start3A_123, %dma_start3A_124] : memref<100000x16xf32, #tpu.memory_space<hbm>> -> memref<100000x16xf32, #tpu.memory_space<hbm>>
      tpu.enqueue_indirect_dma source(%dma_start3A_125 : memref<100000x16xf32, #tpu.memory_space<hbm>>) target(%arg28 : memref<128x16xf32, #tpu.memory_space<vmem>>) offsets(%dma_start3A_122 : memref<128xi32, #tpu.memory_space<vmem>>) semaphore(%arg33 : memref<!tpu.dma_semaphore, #tpu.memory_space<semaphore_mem>>)
      %dma_wait3A_126 = arith.constant 3 : i32
      %dma_wait3A_127 = arith.constant 0 : i32
      %dma_wait3A_128 = tpu.memref_slice %arg17[%dma_wait3A_126, %scan3A_75, %dma_wait3A_127] : memref<5x50x128xi32, #tpu.memory_space<vmem>> -> memref<1x1x128xi32, #tpu.memory_space<vmem>>
      %dma_wait3A_129 = tpu.memref_squeeze %dma_wait3A_128 : memref<1x1x128xi32, #tpu.memory_space<vmem>> -> memref<128xi32, #tpu.memory_space<vmem>>
      %dma_wait3A_130 = arith.constant 0 : i32
      %dma_wait3A_131 = arith.constant 0 : i32
      %dma_wait3A_132 = tpu.memref_slice %arg14[%dma_wait3A_130, %dma_wait3A_131] : memref<100000x16xf32, #tpu.memory_space<hbm>> -> memref<100000x16xf32, #tpu.memory_space<hbm>>
      tpu.wait_indirect_dma semaphore(%arg33 : memref<!tpu.dma_semaphore, #tpu.memory_space<semaphore_mem>>) src(%dma_wait3A_132 : memref<100000x16xf32, #tpu.memory_space<hbm>>) dst(%arg28 : memref<128x16xf32, #tpu.memory_space<vmem>>)
      %dma_start3A_133 = arith.constant 4 : i32
      %dma_start3A_134 = arith.constant 0 : i32
      %dma_start3A_135 = tpu.memref_slice %arg17[%dma_start3A_133, %scan3A_75, %dma_start3A_134] : memref<5x50x128xi32, #tpu.memory_space<vmem>> -> memref<1x1x128xi32, #tpu.memory_space<vmem>>
      %dma_start3A_136 = tpu.memref_squeeze %dma_start3A_135 : memref<1x1x128xi32, #tpu.memory_space<vmem>> -> memref<128xi32, #tpu.memory_space<vmem>>
      %dma_start3A_137 = arith.constant 0 : i32
      %dma_start3A_138 = arith.constant 0 : i32
      %dma_start3A_139 = tpu.memref_slice %arg15[%dma_start3A_137, %dma_start3A_138] : memref<100000x16xf32, #tpu.memory_space<hbm>> -> memref<100000x16xf32, #tpu.memory_space<hbm>>
      tpu.enqueue_indirect_dma source(%dma_start3A_139 : memref<100000x16xf32, #tpu.memory_space<hbm>>) target(%arg29 : memref<128x16xf32, #tpu.memory_space<vmem>>) offsets(%dma_start3A_136 : memref<128xi32, #tpu.memory_space<vmem>>) semaphore(%arg33 : memref<!tpu.dma_semaphore, #tpu.memory_space<semaphore_mem>>)
      %dma_wait3A_140 = arith.constant 4 : i32
      %dma_wait3A_141 = arith.constant 0 : i32
      %dma_wait3A_142 = tpu.memref_slice %arg17[%dma_wait3A_140, %scan3A_75, %dma_wait3A_141] : memref<5x50x128xi32, #tpu.memory_space<vmem>> -> memref<1x1x128xi32, #tpu.memory_space<vmem>>
      %dma_wait3A_143 = tpu.memref_squeeze %dma_wait3A_142 : memref<1x1x128xi32, #tpu.memory_space<vmem>> -> memref<128xi32, #tpu.memory_space<vmem>>
      %dma_wait3A_144 = arith.constant 0 : i32
      %dma_wait3A_145 = arith.constant 0 : i32
      %dma_wait3A_146 = tpu.memref_slice %arg15[%dma_wait3A_144, %dma_wait3A_145] : memref<100000x16xf32, #tpu.memory_space<hbm>> -> memref<100000x16xf32, #tpu.memory_space<hbm>>
      tpu.wait_indirect_dma semaphore(%arg33 : memref<!tpu.dma_semaphore, #tpu.memory_space<semaphore_mem>>) src(%dma_wait3A_146 : memref<100000x16xf32, #tpu.memory_space<hbm>>) dst(%arg29 : memref<128x16xf32, #tpu.memory_space<vmem>>)
      "tpu.region"() ({
        %run_scoped3A = tpu.sem_alloc : memref<!tpu.dma_semaphore, #tpu.memory_space<semaphore_mem>>
        %dma_start3A_162 = arith.constant 0 : i32
        %dma_start3A_163 = arith.constant 0 : i32
        %dma_start3A_164 = tpu.memref_slice %arg3[%add3A, %scan3A_75, %dma_start3A_162, %dma_start3A_163] : memref<32x50x128x16xf32, #tpu.memory_space<hbm>> -> memref<1x1x128x16xf32, #tpu.memory_space<hbm>>
        %dma_start3A_165 = tpu.memref_squeeze %dma_start3A_164 : memref<1x1x128x16xf32, #tpu.memory_space<hbm>> -> memref<128x16xf32, #tpu.memory_space<hbm>>
        %dma_start3A_166 = arith.constant 0 : i32
        %dma_start3A_167 = arith.constant 0 : i32
        %dma_start3A_168 = tpu.memref_slice %arg3[%add3A, %scan3A_75, %dma_start3A_166, %dma_start3A_167] : memref<32x50x128x16xf32, #tpu.memory_space<hbm>> -> memref<1x1x128x16xf32, #tpu.memory_space<hbm>>
        %dma_start3A_169 = tpu.memref_squeeze %dma_start3A_168 : memref<1x1x128x16xf32, #tpu.memory_space<hbm>> -> memref<128x16xf32, #tpu.memory_space<hbm>>
        tpu.enqueue_dma source(%dma_start3A_169 : memref<128x16xf32, #tpu.memory_space<hbm>>) target(%arg30 : memref<128x16xf32, #tpu.memory_space<vmem>>) target_semaphore(%run_scoped3A : memref<!tpu.dma_semaphore, #tpu.memory_space<semaphore_mem>>)
        %dma_wait3A_170 = arith.constant 0 : i32
        %dma_wait3A_171 = arith.constant 0 : i32
        %dma_wait3A_172 = tpu.memref_slice %arg3[%add3A, %scan3A_75, %dma_wait3A_170, %dma_wait3A_171] : memref<32x50x128x16xf32, #tpu.memory_space<hbm>> -> memref<1x1x128x16xf32, #tpu.memory_space<hbm>>
        %dma_wait3A_173 = tpu.memref_squeeze %dma_wait3A_172 : memref<1x1x128x16xf32, #tpu.memory_space<hbm>> -> memref<128x16xf32, #tpu.memory_space<hbm>>
        %dma_wait3A_174 = arith.constant 0 : i32
        %dma_wait3A_175 = arith.constant 0 : i32
        %dma_wait3A_176 = tpu.memref_slice %arg3[%add3A, %scan3A_75, %dma_wait3A_174, %dma_wait3A_175] : memref<32x50x128x16xf32, #tpu.memory_space<hbm>> -> memref<1x1x128x16xf32, #tpu.memory_space<hbm>>
        %dma_wait3A_177 = tpu.memref_squeeze %dma_wait3A_176 : memref<1x1x128x16xf32, #tpu.memory_space<hbm>> -> memref<128x16xf32, #tpu.memory_space<hbm>>
        tpu.wait_dma2 semaphore(%run_scoped3A : memref<!tpu.dma_semaphore, #tpu.memory_space<semaphore_mem>>) src(%dma_wait3A_177 : memref<128x16xf32, #tpu.memory_space<hbm>>) dst(%arg30 : memref<128x16xf32, #tpu.memory_space<vmem>>)
        tpu.yield
      }) : () -> ()
      %scan3A_147 = arith.constant 0 : i32
      %scan3A_148 = arith.constant 0 : i32
      %scan3A_149 = arith.constant 128 : i32
      %scan3A_150 = arith.addi %scan3A_148, %scan3A_149 : i32
      %scan3A_151 = arith.constant 2 : i32
      %scan3A_152 = scf.for %scan3A_162 = %scan3A_148 to %scan3A_150 step %scan3A_151 iter_args(%scan3A_163 = %scan3A_147) -> (i32)  : i32 {
        %mul3A_164 = arith.constant 128 : i32
        %mul3A_165 = arith.muli %scan3A_75, %mul3A_164 : i32
        %add3A_166 = arith.addi %mul3A_165, %scan3A_162 : i32
        %jit3A = arith.constant 50 : i32
        %div3A = arith.divsi %add3A_166, %jit3A : i32
        %sign3A = arith.constant 0 : i32
        %sign3A_167 = arith.cmpi sgt, %add3A_166, %sign3A : i32
        %sign3A_168 = arith.extui %sign3A_167 : i1 to i32
        %sign3A_169 = arith.constant 0 : i32
        %sign3A_170 = arith.cmpi slt, %add3A_166, %sign3A_169 : i32
        %sign3A_171 = arith.extui %sign3A_170 : i1 to i32
        %sign3A_172 = arith.subi %sign3A_168, %sign3A_171 : i32
        %sign3A_173 = arith.constant 0 : i32
        %sign3A_174 = arith.cmpi sgt, %jit3A, %sign3A_173 : i32
        %sign3A_175 = arith.extui %sign3A_174 : i1 to i32
        %sign3A_176 = arith.constant 0 : i32
        %sign3A_177 = arith.cmpi slt, %jit3A, %sign3A_176 : i32
        %sign3A_178 = arith.extui %sign3A_177 : i1 to i32
        %sign3A_179 = arith.subi %sign3A_175, %sign3A_178 : i32
        %ne3A = arith.cmpi ne, %sign3A_172, %sign3A_179 : i32
        %rem3A = arith.remsi %add3A_166, %jit3A : i32
        %ne3A_180 = arith.constant 0 : i32
        %ne3A_181 = arith.cmpi ne, %rem3A, %ne3A_180 : i32
        %and3A = arith.andi %ne3A, %ne3A_181 : i1
        %sub3A = arith.constant 1 : i32
        %sub3A_182 = arith.subi %div3A, %sub3A : i32
        %select_n3A = arith.select %and3A, %sub3A_182, %div3A : i32
        %get3A = arith.index_cast %select_n3A : i32 to index
        %get3A_183 = arith.constant 0 : index
        %get3A_184 = tpu.vector_load %arg24[%get3A, %get3A_183] {strides = array<i32>} : memref<128x16xf32, #tpu.memory_space<vmem>>, vector<16xf32>,
        %get3A_185 = arith.index_cast %scan3A_162 : i32 to index
        %get3A_186 = arith.constant 0 : index
        %get3A_187 = tpu.vector_load %arg30[%get3A_185, %get3A_186] {strides = array<i32>} : memref<128x16xf32, #tpu.memory_space<vmem>>, vector<16xf32>,
        %mul3A_188 = arith.mulf %get3A_184, %get3A_187 : vector<16xf32>
        %get3A_189 = arith.index_cast %select_n3A : i32 to index
        %get3A_190 = arith.constant 0 : index
        %get3A_191 = tpu.vector_load %arg19[%get3A_189, %get3A_190] {strides = array<i32>} : memref<128x64xf32, #tpu.memory_space<vmem>>, vector<16xf32>,
        %get3A_192 = arith.index_cast %scan3A_162 : i32 to index
        %get3A_193 = arith.constant 0 : index
        %get3A_194 = tpu.vector_load %arg25[%get3A_192, %get3A_193] {strides = array<i32>} : memref<128x64xf32, #tpu.memory_space<vmem>>, vector<16xf32>,
        %mul3A_195 = arith.mulf %get3A_191, %get3A_194 : vector<16xf32>
        %add3A_196 = arith.addf %mul3A_188, %mul3A_195 : vector<16xf32>
        %get3A_197 = arith.index_cast %select_n3A : i32 to index
        %get3A_198 = arith.constant 16 : index
        %get3A_199 = tpu.vector_load %arg19[%get3A_197, %get3A_198] {strides = array<i32>} : memref<128x64xf32, #tpu.memory_space<vmem>>, vector<16xf32>,
        %get3A_200 = arith.index_cast %scan3A_162 : i32 to index
        %get3A_201 = arith.constant 16 : index
        %get3A_202 = tpu.vector_load %arg25[%get3A_200, %get3A_201] {strides = array<i32>} : memref<128x64xf32, #tpu.memory_space<vmem>>, vector<16xf32>,
        %mul3A_203 = arith.mulf %get3A_199, %get3A_202 : vector<16xf32>
        %add3A_204 = arith.addf %add3A_196, %mul3A_203 : vector<16xf32>
        %get3A_205 = arith.index_cast %select_n3A : i32 to index
        %get3A_206 = arith.constant 32 : index
        %get3A_207 = tpu.vector_load %arg19[%get3A_205, %get3A_206] {strides = array<i32>} : memref<128x64xf32, #tpu.memory_space<vmem>>, vector<16xf32>,
        %get3A_208 = arith.index_cast %scan3A_162 : i32 to index
        %get3A_209 = arith.constant 32 : index
        %get3A_210 = tpu.vector_load %arg25[%get3A_208, %get3A_209] {strides = array<i32>} : memref<128x64xf32, #tpu.memory_space<vmem>>, vector<16xf32>,
        %mul3A_211 = arith.mulf %get3A_207, %get3A_210 : vector<16xf32>
        %add3A_212 = arith.addf %add3A_204, %mul3A_211 : vector<16xf32>
        %get3A_213 = arith.index_cast %select_n3A : i32 to index
        %get3A_214 = arith.constant 48 : index
        %get3A_215 = tpu.vector_load %arg19[%get3A_213, %get3A_214] {strides = array<i32>} : memref<128x64xf32, #tpu.memory_space<vmem>>, vector<16xf32>,
        %get3A_216 = arith.index_cast %scan3A_162 : i32 to index
        %get3A_217 = arith.constant 48 : index
        %get3A_218 = tpu.vector_load %arg25[%get3A_216, %get3A_217] {strides = array<i32>} : memref<128x64xf32, #tpu.memory_space<vmem>>, vector<16xf32>,
        %mul3A_219 = arith.mulf %get3A_215, %get3A_218 : vector<16xf32>
        %add3A_220 = arith.addf %add3A_212, %mul3A_219 : vector<16xf32>
        %get3A_221 = arith.index_cast %select_n3A : i32 to index
        %get3A_222 = arith.constant 0 : index
        %get3A_223 = tpu.vector_load %arg20[%get3A_221, %get3A_222] {strides = array<i32>} : memref<128x16xf32, #tpu.memory_space<vmem>>, vector<16xf32>,
        %get3A_224 = arith.index_cast %scan3A_162 : i32 to index
        %get3A_225 = arith.constant 0 : index
        %get3A_226 = tpu.vector_load %arg26[%get3A_224, %get3A_225] {strides = array<i32>} : memref<128x16xf32, #tpu.memory_space<vmem>>, vector<16xf32>,
        %mul3A_227 = arith.mulf %get3A_223, %get3A_226 : vector<16xf32>
        %add3A_228 = arith.addf %add3A_220, %mul3A_227 : vector<16xf32>
        %get3A_229 = arith.index_cast %select_n3A : i32 to index
        %get3A_230 = arith.constant 0 : index
        %get3A_231 = tpu.vector_load %arg21[%get3A_229, %get3A_230] {strides = array<i32>} : memref<128x16xf32, #tpu.memory_space<vmem>>, vector<16xf32>,
        %get3A_232 = arith.index_cast %scan3A_162 : i32 to index
        %get3A_233 = arith.constant 0 : index
        %get3A_234 = tpu.vector_load %arg27[%get3A_232, %get3A_233] {strides = array<i32>} : memref<128x16xf32, #tpu.memory_space<vmem>>, vector<16xf32>,
        %mul3A_235 = arith.mulf %get3A_231, %get3A_234 : vector<16xf32>
        %add3A_236 = arith.addf %add3A_228, %mul3A_235 : vector<16xf32>
        %get3A_237 = arith.index_cast %select_n3A : i32 to index
        %get3A_238 = arith.constant 0 : index
        %get3A_239 = tpu.vector_load %arg22[%get3A_237, %get3A_238] {strides = array<i32>} : memref<128x16xf32, #tpu.memory_space<vmem>>, vector<16xf32>,
        %get3A_240 = arith.index_cast %scan3A_162 : i32 to index
        %get3A_241 = arith.constant 0 : index
        %get3A_242 = tpu.vector_load %arg28[%get3A_240, %get3A_241] {strides = array<i32>} : memref<128x16xf32, #tpu.memory_space<vmem>>, vector<16xf32>,
        %mul3A_243 = arith.mulf %get3A_239, %get3A_242 : vector<16xf32>
        %add3A_244 = arith.addf %add3A_236, %mul3A_243 : vector<16xf32>
        %get3A_245 = arith.index_cast %select_n3A : i32 to index
        %get3A_246 = arith.constant 0 : index
        %get3A_247 = tpu.vector_load %arg23[%get3A_245, %get3A_246] {strides = array<i32>} : memref<128x16xf32, #tpu.memory_space<vmem>>, vector<16xf32>,
        %get3A_248 = arith.index_cast %scan3A_162 : i32 to index
        %get3A_249 = arith.constant 0 : index
        %get3A_250 = tpu.vector_load %arg29[%get3A_248, %get3A_249] {strides = array<i32>} : memref<128x16xf32, #tpu.memory_space<vmem>>, vector<16xf32>,
        %mul3A_251 = arith.mulf %get3A_247, %get3A_250 : vector<16xf32>
        %add3A_252 = arith.addf %add3A_244, %mul3A_251 : vector<16xf32>
        %mul3A_253 = arith.constant 16 : i32
        %mul3A_254 = arith.muli %scan3A_162, %mul3A_253 : i32
        %swap3A = arith.index_cast %mul3A_254 : i32 to index
        %swap3A_255 = tpu.vector_load %arg31[%swap3A] {strides = array<i32>} : memref<2048xf32, #tpu.memory_space<vmem>>, vector<16xf32>,
        tpu.vector_store %arg31[%swap3A], %add3A_252 {strides = array<i32>} : memref<2048xf32, #tpu.memory_space<vmem>>, vector<16xf32>,
        %scan3A_256 = arith.constant 0 : i32
        %scan3A_257 = arith.constant 1 : i32
        %scan3A_258 = arith.addi %scan3A_162, %scan3A_257 : i32
        %mul3A_259 = arith.constant 128 : i32
        %mul3A_260 = arith.muli %scan3A_75, %mul3A_259 : i32
        %add3A_261 = arith.addi %mul3A_260, %scan3A_258 : i32
        %jit3A_262 = arith.constant 50 : i32
        %div3A_263 = arith.divsi %add3A_261, %jit3A_262 : i32
        %sign3A_264 = arith.constant 0 : i32
        %sign3A_265 = arith.cmpi sgt, %add3A_261, %sign3A_264 : i32
        %sign3A_266 = arith.extui %sign3A_265 : i1 to i32
        %sign3A_267 = arith.constant 0 : i32
        %sign3A_268 = arith.cmpi slt, %add3A_261, %sign3A_267 : i32
        %sign3A_269 = arith.extui %sign3A_268 : i1 to i32
        %sign3A_270 = arith.subi %sign3A_266, %sign3A_269 : i32
        %sign3A_271 = arith.constant 0 : i32
        %sign3A_272 = arith.cmpi sgt, %jit3A_262, %sign3A_271 : i32
        %sign3A_273 = arith.extui %sign3A_272 : i1 to i32
        %sign3A_274 = arith.constant 0 : i32
        %sign3A_275 = arith.cmpi slt, %jit3A_262, %sign3A_274 : i32
        %sign3A_276 = arith.extui %sign3A_275 : i1 to i32
        %sign3A_277 = arith.subi %sign3A_273, %sign3A_276 : i32
        %ne3A_278 = arith.cmpi ne, %sign3A_270, %sign3A_277 : i32
        %rem3A_279 = arith.remsi %add3A_261, %jit3A_262 : i32
        %ne3A_280 = arith.constant 0 : i32
        %ne3A_281 = arith.cmpi ne, %rem3A_279, %ne3A_280 : i32
        %and3A_282 = arith.andi %ne3A_278, %ne3A_281 : i1
        %sub3A_283 = arith.constant 1 : i32
        %sub3A_284 = arith.subi %div3A_263, %sub3A_283 : i32
        %select_n3A_285 = arith.select %and3A_282, %sub3A_284, %div3A_263 : i32
        %get3A_286 = arith.index_cast %select_n3A_285 : i32 to index
        %get3A_287 = arith.constant 0 : index
        %get3A_288 = tpu.vector_load %arg24[%get3A_286, %get3A_287] {strides = array<i32>} : memref<128x16xf32, #tpu.memory_space<vmem>>, vector<16xf32>,
        %get3A_289 = arith.index_cast %scan3A_258 : i32 to index
        %get3A_290 = arith.constant 0 : index
        %get3A_291 = tpu.vector_load %arg30[%get3A_289, %get3A_290] {strides = array<i32>} : memref<128x16xf32, #tpu.memory_space<vmem>>, vector<16xf32>,
        %mul3A_292 = arith.mulf %get3A_288, %get3A_291 : vector<16xf32>
        %get3A_293 = arith.index_cast %select_n3A_285 : i32 to index
        %get3A_294 = arith.constant 0 : index
        %get3A_295 = tpu.vector_load %arg19[%get3A_293, %get3A_294] {strides = array<i32>} : memref<128x64xf32, #tpu.memory_space<vmem>>, vector<16xf32>,
        %get3A_296 = arith.index_cast %scan3A_258 : i32 to index
        %get3A_297 = arith.constant 0 : index
        %get3A_298 = tpu.vector_load %arg25[%get3A_296, %get3A_297] {strides = array<i32>} : memref<128x64xf32, #tpu.memory_space<vmem>>, vector<16xf32>,
        %mul3A_299 = arith.mulf %get3A_295, %get3A_298 : vector<16xf32>
        %add3A_300 = arith.addf %mul3A_292, %mul3A_299 : vector<16xf32>
        %get3A_301 = arith.index_cast %select_n3A_285 : i32 to index
        %get3A_302 = arith.constant 16 : index
        %get3A_303 = tpu.vector_load %arg19[%get3A_301, %get3A_302] {strides = array<i32>} : memref<128x64xf32, #tpu.memory_space<vmem>>, vector<16xf32>,
        %get3A_304 = arith.index_cast %scan3A_258 : i32 to index
        %get3A_305 = arith.constant 16 : index
        %get3A_306 = tpu.vector_load %arg25[%get3A_304, %get3A_305] {strides = array<i32>} : memref<128x64xf32, #tpu.memory_space<vmem>>, vector<16xf32>,
        %mul3A_307 = arith.mulf %get3A_303, %get3A_306 : vector<16xf32>
        %add3A_308 = arith.addf %add3A_300, %mul3A_307 : vector<16xf32>
        %get3A_309 = arith.index_cast %select_n3A_285 : i32 to index
        %get3A_310 = arith.constant 32 : index
        %get3A_311 = tpu.vector_load %arg19[%get3A_309, %get3A_310] {strides = array<i32>} : memref<128x64xf32, #tpu.memory_space<vmem>>, vector<16xf32>,
        %get3A_312 = arith.index_cast %scan3A_258 : i32 to index
        %get3A_313 = arith.constant 32 : index
        %get3A_314 = tpu.vector_load %arg25[%get3A_312, %get3A_313] {strides = array<i32>} : memref<128x64xf32, #tpu.memory_space<vmem>>, vector<16xf32>,
        %mul3A_315 = arith.mulf %get3A_311, %get3A_314 : vector<16xf32>
        %add3A_316 = arith.addf %add3A_308, %mul3A_315 : vector<16xf32>
        %get3A_317 = arith.index_cast %select_n3A_285 : i32 to index
        %get3A_318 = arith.constant 48 : index
        %get3A_319 = tpu.vector_load %arg19[%get3A_317, %get3A_318] {strides = array<i32>} : memref<128x64xf32, #tpu.memory_space<vmem>>, vector<16xf32>,
        %get3A_320 = arith.index_cast %scan3A_258 : i32 to index
        %get3A_321 = arith.constant 48 : index
        %get3A_322 = tpu.vector_load %arg25[%get3A_320, %get3A_321] {strides = array<i32>} : memref<128x64xf32, #tpu.memory_space<vmem>>, vector<16xf32>,
        %mul3A_323 = arith.mulf %get3A_319, %get3A_322 : vector<16xf32>
        %add3A_324 = arith.addf %add3A_316, %mul3A_323 : vector<16xf32>
        %get3A_325 = arith.index_cast %select_n3A_285 : i32 to index
        %get3A_326 = arith.constant 0 : index
        %get3A_327 = tpu.vector_load %arg20[%get3A_325, %get3A_326] {strides = array<i32>} : memref<128x16xf32, #tpu.memory_space<vmem>>, vector<16xf32>,
        %get3A_328 = arith.index_cast %scan3A_258 : i32 to index
        %get3A_329 = arith.constant 0 : index
        %get3A_330 = tpu.vector_load %arg26[%get3A_328, %get3A_329] {strides = array<i32>} : memref<128x16xf32, #tpu.memory_space<vmem>>, vector<16xf32>,
        %mul3A_331 = arith.mulf %get3A_327, %get3A_330 : vector<16xf32>
        %add3A_332 = arith.addf %add3A_324, %mul3A_331 : vector<16xf32>
        %get3A_333 = arith.index_cast %select_n3A_285 : i32 to index
        %get3A_334 = arith.constant 0 : index
        %get3A_335 = tpu.vector_load %arg21[%get3A_333, %get3A_334] {strides = array<i32>} : memref<128x16xf32, #tpu.memory_space<vmem>>, vector<16xf32>,
        %get3A_336 = arith.index_cast %scan3A_258 : i32 to index
        %get3A_337 = arith.constant 0 : index
        %get3A_338 = tpu.vector_load %arg27[%get3A_336, %get3A_337] {strides = array<i32>} : memref<128x16xf32, #tpu.memory_space<vmem>>, vector<16xf32>,
        %mul3A_339 = arith.mulf %get3A_335, %get3A_338 : vector<16xf32>
        %add3A_340 = arith.addf %add3A_332, %mul3A_339 : vector<16xf32>
        %get3A_341 = arith.index_cast %select_n3A_285 : i32 to index
        %get3A_342 = arith.constant 0 : index
        %get3A_343 = tpu.vector_load %arg22[%get3A_341, %get3A_342] {strides = array<i32>} : memref<128x16xf32, #tpu.memory_space<vmem>>, vector<16xf32>,
        %get3A_344 = arith.index_cast %scan3A_258 : i32 to index
        %get3A_345 = arith.constant 0 : index
        %get3A_346 = tpu.vector_load %arg28[%get3A_344, %get3A_345] {strides = array<i32>} : memref<128x16xf32, #tpu.memory_space<vmem>>, vector<16xf32>,
        %mul3A_347 = arith.mulf %get3A_343, %get3A_346 : vector<16xf32>
        %add3A_348 = arith.addf %add3A_340, %mul3A_347 : vector<16xf32>
        %get3A_349 = arith.index_cast %select_n3A_285 : i32 to index
        %get3A_350 = arith.constant 0 : index
        %get3A_351 = tpu.vector_load %arg23[%get3A_349, %get3A_350] {strides = array<i32>} : memref<128x16xf32, #tpu.memory_space<vmem>>, vector<16xf32>,
        %get3A_352 = arith.index_cast %scan3A_258 : i32 to index
        %get3A_353 = arith.constant 0 : index
        %get3A_354 = tpu.vector_load %arg29[%get3A_352, %get3A_353] {strides = array<i32>} : memref<128x16xf32, #tpu.memory_space<vmem>>, vector<16xf32>,
        %mul3A_355 = arith.mulf %get3A_351, %get3A_354 : vector<16xf32>
        %add3A_356 = arith.addf %add3A_348, %mul3A_355 : vector<16xf32>
        %mul3A_357 = arith.constant 16 : i32
        %mul3A_358 = arith.muli %scan3A_258, %mul3A_357 : i32
        %swap3A_359 = arith.index_cast %mul3A_358 : i32 to index
        %swap3A_360 = tpu.vector_load %arg31[%swap3A_359] {strides = array<i32>} : memref<2048xf32, #tpu.memory_space<vmem>>, vector<16xf32>,
        tpu.vector_store %arg31[%swap3A_359], %add3A_356 {strides = array<i32>} : memref<2048xf32, #tpu.memory_space<vmem>>, vector<16xf32>,
        %scan3A_361 = arith.constant 0 : i32
        scf.yield %scan3A_361 : i32
      }
      %scan3A_153 = arith.constant 128 : i32
      %scan3A_154 = arith.constant 0 : i32
      %scan3A_155 = arith.constant 0 : i32
      %scan3A_156 = arith.constant 8 : i32
      %scan3A_157 = arith.addi %scan3A_155, %scan3A_156 : i32
      %scan3A_158 = arith.constant 1 : i32
      %scan3A_159 = scf.for %scan3A_162 = %scan3A_155 to %scan3A_157 step %scan3A_158 iter_args(%scan3A_163 = %scan3A_154) -> (i32)  : i32 {
        %mul3A_164 = arith.constant 16 : i32
        %mul3A_165 = arith.muli %scan3A_162, %mul3A_164 : i32
        %iota3A = tpu.iota {dimensions = array<i32: 0>} : vector<16xi32>
        %add3A_166 = vector.broadcast %mul3A_165 : i32 to vector<16xi32>
        %add3A_167 = arith.addi %add3A_166, %iota3A : vector<16xi32>
        %mul3A_168 = arith.constant 16 : i32
        %mul3A_169 = vector.broadcast %mul3A_168 : i32 to vector<16xi32>
        %mul3A_170 = arith.muli %add3A_167, %mul3A_169 : vector<16xi32>
        %broadcast_in_dim3A = arith.constant 0.000000e+00 : f32
        %broadcast_in_dim3A_171 = vector.broadcast %broadcast_in_dim3A : f32 to vector<16xf32>
        %add3A_172 = arith.constant 0 : i32
        %add3A_173 = vector.broadcast %add3A_172 : i32 to vector<16xi32>
        %add3A_174 = arith.addi %mul3A_170, %add3A_173 : vector<16xi32>
        %gather3A = tpu.vector_load_idx %arg31[%add3A_174] : memref<2048xf32, #tpu.memory_space<vmem>>[vector<16xi32>], vector<16xf32>,
        %add3A_175 = arith.addf %broadcast_in_dim3A_171, %gather3A : vector<16xf32>
        %add3A_176 = arith.constant 1 : i32
        %add3A_177 = vector.broadcast %add3A_176 : i32 to vector<16xi32>
        %add3A_178 = arith.addi %mul3A_170, %add3A_177 : vector<16xi32>
        %gather3A_179 = tpu.vector_load_idx %arg31[%add3A_178] : memref<2048xf32, #tpu.memory_space<vmem>>[vector<16xi32>], vector<16xf32>,
        %add3A_180 = arith.addf %add3A_175, %gather3A_179 : vector<16xf32>
        %add3A_181 = arith.constant 2 : i32
        %add3A_182 = vector.broadcast %add3A_181 : i32 to vector<16xi32>
        %add3A_183 = arith.addi %mul3A_170, %add3A_182 : vector<16xi32>
        %gather3A_184 = tpu.vector_load_idx %arg31[%add3A_183] : memref<2048xf32, #tpu.memory_space<vmem>>[vector<16xi32>], vector<16xf32>,
        %add3A_185 = arith.addf %add3A_180, %gather3A_184 : vector<16xf32>
        %add3A_186 = arith.constant 3 : i32
        %add3A_187 = vector.broadcast %add3A_186 : i32 to vector<16xi32>
        %add3A_188 = arith.addi %mul3A_170, %add3A_187 : vector<16xi32>
        %gather3A_189 = tpu.vector_load_idx %arg31[%add3A_188] : memref<2048xf32, #tpu.memory_space<vmem>>[vector<16xi32>], vector<16xf32>,
        %add3A_190 = arith.addf %add3A_185, %gather3A_189 : vector<16xf32>
        %add3A_191 = arith.constant 4 : i32
        %add3A_192 = vector.broadcast %add3A_191 : i32 to vector<16xi32>
        %add3A_193 = arith.addi %mul3A_170, %add3A_192 : vector<16xi32>
        %gather3A_194 = tpu.vector_load_idx %arg31[%add3A_193] : memref<2048xf32, #tpu.memory_space<vmem>>[vector<16xi32>], vector<16xf32>,
        %add3A_195 = arith.addf %add3A_190, %gather3A_194 : vector<16xf32>
        %add3A_196 = arith.constant 5 : i32
        %add3A_197 = vector.broadcast %add3A_196 : i32 to vector<16xi32>
        %add3A_198 = arith.addi %mul3A_170, %add3A_197 : vector<16xi32>
        %gather3A_199 = tpu.vector_load_idx %arg31[%add3A_198] : memref<2048xf32, #tpu.memory_space<vmem>>[vector<16xi32>], vector<16xf32>,
        %add3A_200 = arith.addf %add3A_195, %gather3A_199 : vector<16xf32>
        %add3A_201 = arith.constant 6 : i32
        %add3A_202 = vector.broadcast %add3A_201 : i32 to vector<16xi32>
        %add3A_203 = arith.addi %mul3A_170, %add3A_202 : vector<16xi32>
        %gather3A_204 = tpu.vector_load_idx %arg31[%add3A_203] : memref<2048xf32, #tpu.memory_space<vmem>>[vector<16xi32>], vector<16xf32>,
        %add3A_205 = arith.addf %add3A_200, %gather3A_204 : vector<16xf32>
        %add3A_206 = arith.constant 7 : i32
        %add3A_207 = vector.broadcast %add3A_206 : i32 to vector<16xi32>
        %add3A_208 = arith.addi %mul3A_170, %add3A_207 : vector<16xi32>
        %gather3A_209 = tpu.vector_load_idx %arg31[%add3A_208] : memref<2048xf32, #tpu.memory_space<vmem>>[vector<16xi32>], vector<16xf32>,
        %add3A_210 = arith.addf %add3A_205, %gather3A_209 : vector<16xf32>
        %add3A_211 = arith.constant 8 : i32
        %add3A_212 = vector.broadcast %add3A_211 : i32 to vector<16xi32>
        %add3A_213 = arith.addi %mul3A_170, %add3A_212 : vector<16xi32>
        %gather3A_214 = tpu.vector_load_idx %arg31[%add3A_213] : memref<2048xf32, #tpu.memory_space<vmem>>[vector<16xi32>], vector<16xf32>,
        %add3A_215 = arith.addf %add3A_210, %gather3A_214 : vector<16xf32>
        %add3A_216 = arith.constant 9 : i32
        %add3A_217 = vector.broadcast %add3A_216 : i32 to vector<16xi32>
        %add3A_218 = arith.addi %mul3A_170, %add3A_217 : vector<16xi32>
        %gather3A_219 = tpu.vector_load_idx %arg31[%add3A_218] : memref<2048xf32, #tpu.memory_space<vmem>>[vector<16xi32>], vector<16xf32>,
        %add3A_220 = arith.addf %add3A_215, %gather3A_219 : vector<16xf32>
        %add3A_221 = arith.constant 10 : i32
        %add3A_222 = vector.broadcast %add3A_221 : i32 to vector<16xi32>
        %add3A_223 = arith.addi %mul3A_170, %add3A_222 : vector<16xi32>
        %gather3A_224 = tpu.vector_load_idx %arg31[%add3A_223] : memref<2048xf32, #tpu.memory_space<vmem>>[vector<16xi32>], vector<16xf32>,
        %add3A_225 = arith.addf %add3A_220, %gather3A_224 : vector<16xf32>
        %add3A_226 = arith.constant 11 : i32
        %add3A_227 = vector.broadcast %add3A_226 : i32 to vector<16xi32>
        %add3A_228 = arith.addi %mul3A_170, %add3A_227 : vector<16xi32>
        %gather3A_229 = tpu.vector_load_idx %arg31[%add3A_228] : memref<2048xf32, #tpu.memory_space<vmem>>[vector<16xi32>], vector<16xf32>,
        %add3A_230 = arith.addf %add3A_225, %gather3A_229 : vector<16xf32>
        %add3A_231 = arith.constant 12 : i32
        %add3A_232 = vector.broadcast %add3A_231 : i32 to vector<16xi32>
        %add3A_233 = arith.addi %mul3A_170, %add3A_232 : vector<16xi32>
        %gather3A_234 = tpu.vector_load_idx %arg31[%add3A_233] : memref<2048xf32, #tpu.memory_space<vmem>>[vector<16xi32>], vector<16xf32>,
        %add3A_235 = arith.addf %add3A_230, %gather3A_234 : vector<16xf32>
        %add3A_236 = arith.constant 13 : i32
        %add3A_237 = vector.broadcast %add3A_236 : i32 to vector<16xi32>
        %add3A_238 = arith.addi %mul3A_170, %add3A_237 : vector<16xi32>
        %gather3A_239 = tpu.vector_load_idx %arg31[%add3A_238] : memref<2048xf32, #tpu.memory_space<vmem>>[vector<16xi32>], vector<16xf32>,
        %add3A_240 = arith.addf %add3A_235, %gather3A_239 : vector<16xf32>
        %add3A_241 = arith.constant 14 : i32
        %add3A_242 = vector.broadcast %add3A_241 : i32 to vector<16xi32>
        %add3A_243 = arith.addi %mul3A_170, %add3A_242 : vector<16xi32>
        %gather3A_244 = tpu.vector_load_idx %arg31[%add3A_243] : memref<2048xf32, #tpu.memory_space<vmem>>[vector<16xi32>], vector<16xf32>,
        %add3A_245 = arith.addf %add3A_240, %gather3A_244 : vector<16xf32>
        %add3A_246 = arith.constant 15 : i32
        %add3A_247 = vector.broadcast %add3A_246 : i32 to vector<16xi32>
        %add3A_248 = arith.addi %mul3A_170, %add3A_247 : vector<16xi32>
        %gather3A_249 = tpu.vector_load_idx %arg31[%add3A_248] : memref<2048xf32, #tpu.memory_space<vmem>>[vector<16xi32>], vector<16xf32>,
        %add3A_250 = arith.addf %add3A_245, %gather3A_249 : vector<16xf32>
        %mul3A_251 = arith.constant 128 : i32
        %mul3A_252 = arith.muli %scan3A_75, %mul3A_251 : i32
        %mul3A_253 = arith.constant 16 : i32
        %mul3A_254 = arith.muli %scan3A_162, %mul3A_253 : i32
        %add3A_255 = arith.addi %mul3A_252, %mul3A_254 : i32
        %swap3A = arith.index_cast %add3A_255 : i32 to index
        %swap3A_256 = tpu.vector_load %arg32[%swap3A] {strides = array<i32>} : memref<6400xf32, #tpu.memory_space<vmem>>, vector<16xf32>,
        tpu.vector_store %arg32[%swap3A], %add3A_250 {strides = array<i32>} : memref<6400xf32, #tpu.memory_space<vmem>>, vector<16xf32>,
        %scan3A_257 = arith.constant 0 : i32
        scf.yield %scan3A_257 : i32
      }
      %scan3A_160 = arith.constant 8 : i32
      %scan3A_161 = arith.constant 0 : i32
      scf.yield %scan3A_161 : i32
    }
    %scan3A_74 = arith.constant 50 : i32
    "tpu.region"() ({
      %run_scoped3A = tpu.sem_alloc : memref<!tpu.dma_semaphore, #tpu.memory_space<semaphore_mem>>
      %dma_start3A_75 = arith.constant 0 : i32
      %dma_start3A_76 = tpu.memref_slice %arg16[%add3A, %dma_start3A_75] : memref<32x6400xf32, #tpu.memory_space<hbm>> -> memref<1x6400xf32, #tpu.memory_space<hbm>>
      %dma_start3A_77 = tpu.memref_squeeze %dma_start3A_76 : memref<1x6400xf32, #tpu.memory_space<hbm>> -> memref<6400xf32, #tpu.memory_space<hbm>>
      %dma_start3A_78 = arith.constant 0 : i32
      %dma_start3A_79 = tpu.memref_slice %arg16[%add3A, %dma_start3A_78] : memref<32x6400xf32, #tpu.memory_space<hbm>> -> memref<1x6400xf32, #tpu.memory_space<hbm>>
      %dma_start3A_80 = tpu.memref_squeeze %dma_start3A_79 : memref<1x6400xf32, #tpu.memory_space<hbm>> -> memref<6400xf32, #tpu.memory_space<hbm>>
      tpu.enqueue_dma source(%arg32 : memref<6400xf32, #tpu.memory_space<vmem>>) target(%dma_start3A_80 : memref<6400xf32, #tpu.memory_space<hbm>>) target_semaphore(%run_scoped3A : memref<!tpu.dma_semaphore, #tpu.memory_space<semaphore_mem>>)
      %dma_wait3A_81 = arith.constant 0 : i32
      %dma_wait3A_82 = tpu.memref_slice %arg16[%add3A, %dma_wait3A_81] : memref<32x6400xf32, #tpu.memory_space<hbm>> -> memref<1x6400xf32, #tpu.memory_space<hbm>>
      %dma_wait3A_83 = tpu.memref_squeeze %dma_wait3A_82 : memref<1x6400xf32, #tpu.memory_space<hbm>> -> memref<6400xf32, #tpu.memory_space<hbm>>
      %dma_wait3A_84 = arith.constant 0 : i32
      %dma_wait3A_85 = tpu.memref_slice %arg16[%add3A, %dma_wait3A_84] : memref<32x6400xf32, #tpu.memory_space<hbm>> -> memref<1x6400xf32, #tpu.memory_space<hbm>>
      %dma_wait3A_86 = tpu.memref_squeeze %dma_wait3A_85 : memref<1x6400xf32, #tpu.memory_space<hbm>> -> memref<6400xf32, #tpu.memory_space<hbm>>
      tpu.wait_dma2 semaphore(%run_scoped3A : memref<!tpu.dma_semaphore, #tpu.memory_space<semaphore_mem>>) src(%arg32 : memref<6400xf32, #tpu.memory_space<vmem>>) dst(%dma_wait3A_86 : memref<6400xf32, #tpu.memory_space<hbm>>)
      tpu.yield
    }) : () -> ()
    return
  }
}

</mosaic_0001>

<sc_bundles>
// kernel: kernel.3.cloned.1.call-start
scs
__scs_entry_jumppad:
0x0: {  	(pc) =	sbr.rel $0x88, $3  }
0x1: {  	(tag) =	ssettag $0x0;
	lr =	simm.s32 $0x1  }
0x2: {  	[smem:$0x3F93] =	sst lr;
	_ =	strace $0xD0000000  }
0x3: {  	_ = 	snop  }
0x4: {  	_ = 	snop  }
0x5: {  	_ = 	snop  }
0x6: {  	_ = 	snop  }
0x7: {  	_ = 	snop  }
__scs_overlays_trampoline_lowered:
0x8: {  	[smem:$0x3FA2] =	sst s0  }
0x9: {  	[smem:$0x3FA3] =	sst s1  }
0xa: {  	[smem:$0x3FA4] =	sst s2  }
0xb: {  	[smem:$0x3FA5] =	sst s3  }
0xc: {  	[smem:$0x3FA6] =	sst s4  }
0xd: {  	[smem:$0x3FA7] =	sst s5  }
0xe: {  	[smem:$0x3FA8] =	sst s6  }
0xf: {  	[smem:$0x3FA9] =	sst s7  }
0x10: {  	[smem:$0x3FAA] =	sst s8  }
0x11: {  	[smem:$0x3FAB] =	sst s9;
	s0 =	simm.s32 @!p0 $0x0  }
0x12: {  	s1 =	sld [smem:$0x3F91];
	s0 =	simm.s32 @p0 $0x1  }
0x13: {  	[smem:$0x3FAC] =	sst s0;
	s0 =	simm.s32 @!p1 $0x0  }
0x14: {  	s2 =	sld [smem:$0x3F90];
	s0 =	simm.s32 @p1 $0x1  }
0x15: {  	[smem:$0x3FAD] =	sst s0;
	s0 =	simm.s32 @!p2 $0x0  }
0x16: {  	s3 =	sld [smem:$0x3FDB];
	s0 =	simm.s32 @p2 $0x1  }
0x17: {  	s4 =	simm.s32 $0x1BF5;
	[smem:$0x3FAF] =	sst s0  }
0x18: {  	s0 =	sld [smem:$0x3F92];
	_ =	swait.ge [sflag:s4], $0x0  }
0x19: {  	s7 =	sld [smem:$0x3F93]  }
0x1a: {  	s8 =	sadd.s32 $0xFFFFE003, lr  }
0x1b: {  	s9 =	sadd.s32 $0xFFFFFEF7, lr;
	s5 =	simm.s32 $0xFFFFFFFF;
	p2 =	slt.u32 s8, $0xFFFFF086  }
0x1c: {  	p1 =	slt.u32 s9, $0xF7A;
	s5 =	simm.s32 @!p2 $0x0  }
0x1d: {  	s5 =	simm.s32 @p1 $0x1;
	p0 =	seq.s32 s7, s2  }
0x1e: {  	s7 =	smul.u32 @!p0 $0xF7A, s2;
	p2 =	seq.s32 @!p0 s5, $0x0  }
0x1f: {  	s9 =	smul.u32 $0xF7A, s1;
	s8 =	simm.s32 @!p0 $0x1BF5;
	p2 =	por !p2, p0  }
0x20: {  	[sflag:s8] =	ssyncset.s32 @!p0 $0xFFFFF086;
	s6 =	sadd.s32 @!p0 s3, s7;
	s7 =	simm.s32 @!p0 $0x108  }
0x21: {  	s3 =	sadd.s32 s3, s9;
	s6 =	sadd.s32 @!p0 $0x88, s6;
	s7 =	simm.s32 @p2 $0x1082  }
0x22: {  	[simem:s7], [sflag:s8] =	dma.local @!p0 [hbm:s6], $0xF7A  }
0x23: {  	s9 =	sor.u32 $0xD0000000, s2;
	s6 =	simm.s32 $0x108;
	_ =	swait.ge @!p0 [sflag:s8], $0x0  }
0x24: {  	s3 =	sadd.s32 $0x88, s3;
	s6 =	simm.s32 @!p1 $0x1082;
	[sflag:s4] =	ssyncset.s32 $0xFFFFF086  }
0x25: {  	[simem:s6], [sflag:s4] =	dma.local [hbm:s3], $0xF7A  }
0x26: {  	[smem:$0x3F93] =	sst s1;
	(tag) =	ssettag s2;
	_ =	strace s9  }
0x27: {  	s1 =	sld [smem:$0x3FA3]  }
0x28: {  	s2 =	sld [smem:$0x3FA4]  }
0x29: {  	s4 =	sld [smem:$0x3FA6]  }
0x2a: {  	p0 =	seq.s32 s5, $0x0;
	s5 =	sld [smem:$0x3FA7]  }
0x2b: {  	s6 =	sld [smem:$0x3FA8]  }
0x2c: {  	s7 =	sld [smem:$0x3FA9]  }
0x2d: {  	s3 =	simm.s32 $0x108;
	s8 =	sld [smem:$0x3FAA]  }
0x2e: {  	s3 =	simm.s32 @!p0 $0x1082;
	s9 =	sld [smem:$0x3FAB]  }
0x2f: {  	lr =	sadd.s32 s0, s3;
	s0 =	sld [smem:$0x3FA2]  }
0x30: {  	s3 =	sld [smem:$0x3FA5]  }
0x31: {  	[smem:$0x3FAE] =	sst s10  }
0x32: {  	s10 =	sld [smem:$0x3FAC];
	_ =	sdelay $0x3  }
0x33: {  	p0 =	seq.s32 s10, $0x1;
	s10 =	sld [smem:$0x3FAE];
	_ =	sdelay $0x3  }
0x34: {  	[smem:$0x3FAE] =	sst s10  }
0x35: {  	s10 =	sld [smem:$0x3FAD];
	_ =	sdelay $0x3  }
0x36: {  	p1 =	seq.s32 s10, $0x1;
	s10 =	sld [smem:$0x3FAE];
	_ =	sdelay $0x3  }
0x37: {  	[smem:$0x3FAE] =	sst s10  }
0x38: {  	s10 =	sld [smem:$0x3FAF]  }
0x39: {  	_ = 	snop;
	(pc) =	sbr.ind lr, $3  }
0x3a: {  	_ = 	snop  }
0x3b: {  	_ = 	snop  }
0x3c: {  	p2 =	seq.s32 s10, $0x1;
	s10 =	sld [smem:$0x3FAE]  }
0x3d: {  	_ =	shalt  }
0x3e: {  	_ =	shalt  }
0x3f: {  	_ =	shalt  }
0x40: {  	_ =	shalt  }
0x41: {  	_ =	shalt  }
0x42: {  	_ =	shalt  }
0x43: {  	_ =	shalt  }
0x44: {  	_ =	shalt  }
0x45: {  	_ =	shalt  }
0x46: {  	_ =	shalt  }
0x47: {  	_ =	shalt  }
0x48: {  	_ =	shalt  }
0x49: {  	_ =	shalt  }
0x4a: {  	_ =	shalt  }
0x4b: {  	_ =	shalt  }
0x4c: {  	_ =	shalt  }
0x4d: {  	_ =	shalt  }
0x4e: {  	_ =	shalt  }
0x4f: {  	_ =	shalt  }
0x50: {  	_ =	shalt  }
0x51: {  	_ =	shalt  }
0x52: {  	_ =	shalt  }
0x53: {  	_ =	shalt  }
0x54: {  	_ =	shalt  }
0x55: {  	_ =	shalt  }
0x56: {  	_ =	shalt  }
0x57: {  	_ =	shalt  }
0x58: {  	_ =	shalt  }
0x59: {  	_ =	shalt  }
0x5a: {  	_ =	shalt  }
0x5b: {  	_ =	shalt  }
0x5c: {  	_ =	shalt  }
0x5d: {  	_ =	shalt  }
0x5e: {  	_ =	shalt  }
0x5f: {  	_ =	shalt  }
0x60: {  	_ =	shalt  }
0x61: {  	_ =	shalt  }
0x62: {  	_ =	shalt  }
0x63: {  	_ =	shalt  }
0x64: {  	_ =	shalt  }
0x65: {  	_ =	shalt  }
0x66: {  	_ =	shalt  }
0x67: {  	_ =	shalt  }
0x68: {  	_ =	shalt  }
0x69: {  	_ =	shalt  }
0x6a: {  	_ =	shalt  }
0x6b: {  	_ =	shalt  }
0x6c: {  	_ =	shalt  }
0x6d: {  	_ =	shalt  }
0x6e: {  	_ =	shalt  }
0x6f: {  	_ =	shalt  }
0x70: {  	_ =	shalt  }
0x71: {  	_ =	shalt  }
0x72: {  	_ =	shalt  }
0x73: {  	_ =	shalt  }
0x74: {  	_ =	shalt  }
0x75: {  	_ =	shalt  }
0x76: {  	_ =	shalt  }
0x77: {  	_ =	shalt  }
0x78: {  	_ =	shalt  }
0x79: {  	_ =	shalt  }
0x7a: {  	_ =	shalt  }
0x7b: {  	_ =	shalt  }
0x7c: {  	_ =	shalt  }
0x7d: {  	_ =	shalt  }
0x7e: {  	_ =	shalt  }
0x7f: {  	_ =	shalt  }
0x80: {  	_ =	shalt  }
0x81: {  	_ =	shalt  }
0x82: {  	_ =	shalt  }
0x83: {  	_ =	shalt  }
0x84: {  	_ =	shalt  }
0x85: {  	_ =	shalt  }
0x86: {  	_ =	shalt  }
0x87: {  	_ =	shalt  }
.Lfunc_end0:
.L_simem_size_0:
called_computation_lowered:
.L_overlay_start_0:
0x88: {  	s2 =	sld [smem:$0x3FD9]  }
0x89: {  	s3 =	sld [smem:$0x3FFE];
	_ =	sdelay $0x1  }
0x8a: {  	s1 =	srdreg.scid  }
0x8b: {  	s0 =	sand.u32 $0x1, s1  }
0x8c: {  	s17 =	sshll.u32 s0, $0xA;
	s2 =	sadd.s32 s3, s2  }
0x8d: {  	s2 =	sadd.s32 s2, s17  }
0x8e: {  	[smem:$0x3FBA] =	sst s2  }
0x8f: {  	_ = 	snop  }
0x90: {  	s2 =	sld [smem:$0x3FD0];
	(tm) =	ssettm $0x1  }
0x91: {  	s18 =	sld [smem:$0x3FFB];
	_ =	sdelay $0x3  }
0x92: {  	_ =	strace s18  }
0x93: {  	s3 =	sld [smem:$0x3FFC];
	_ =	sdelay $0x3  }
0x94: {  	_ =	strace s3  }
0x95: {  	s3 =	sld [smem:$0x3FFD];
	_ =	sdelay $0x3  }
0x96: {  	_ =	strace s3  }
0x97: {  	_ =	strace $0x8FFFFFFF  }
0x98: {  	s19 =	sld [smem:$0x3FDB];
	_ =	sdelay $0x1  }
0x99: {  	s4 =	simm.s32 $_scs_section_size  }
0x9a: {  	s5 =	simm.s32 $_size__tile_overlayer_lowered;
	s6 =	simm.s32 $_tile_overlayer_lowered  }
0x9b: {  	s22 =	simm.s32 $0x1BFF;
	s21 =	sshll.u32 s6, $0x1;
	s3 =	sadd.s32 s4, s19  }
0x9c: {  	s7 =	simm.s32 $0x0;
	s20 =	sshll.u32 s5, $0x1;
	s5 =	sadd.s32 s21, s3  }
0x9d: {  	[timem:s7], [sflag:s22] =	dma.local [hbm:s5], s20  }
0x9e: {  	_ =	swait.ge [sflag:s22], s20  }
0x9f: {  	s4 =	ssub.s32 $0x0, s20;
	[sflag:s22] =	ssyncset.done $0x0  }
0xa0: {  	[sflag:s22] =	ssyncadd.s32 s4;
	_ =	sdelay $0x1  }
0xa1: {  	s23 =	simm.s32 $0x1B8B  }
0xa2: {  	_ =	swait.ge [sflag:s23], $0x1  }
0xa3: {  	[sflag:s23] =	ssyncset.done $0x0  }
0xa4: {  	s25 =	simm.s32 $0x1B8E;
	s24 =	sld [smem:$0x3FFE];
	[sflag:s23] =	ssyncadd.s32 $0xFFFFFFFF  }
0xa5: {  	s26 =	simm.s32 $execute0_lowered;
	[smem:$0x3FD2] =	sst s25  }
0xa6: {  	s5 =	sshll.u32 s26, $0x1;
	_ =	strace $0x80000046;
	[dreg:$0x1] =	wrdreg $0xFFFFFFFF  }
0xa7: {  	s28 =	simm.s32 $_size_execute0_lowered;
	s3 =	sadd.s32 s3, s5;
	[dreg:$0x0] =	wrdreg $0x0  }
0xa8: {  	s5 =	sshll.u32 s28, $0x1;
	[dreg:$0x2] =	wrdreg s3  }
0xa9: {  	[dreg:$0x3] =	wrdreg s5  }
0xaa: {  	[dreg:$0x4] =	wrdreg $0xC0  }
0xab: {  	_ =	task [dreg:s7], $0x5FFFF  }
0xac: {  	[dreg:$0x1] =	wrdreg $0xFFFFFFFF  }
0xad: {  	[dreg:$0x0] =	wrdreg $0x60  }
0xae: {  	[dreg:$0x2] =	wrdreg s24  }
0xaf: {  	[dreg:$0x3] =	wrdreg s2  }
0xb0: {  	[dreg:$0x4] =	wrdreg $0x9  }
0xb1: {  	_ =	task.clear_ibuf [dreg:s7], $0x5FFFF;
	_ =	strace $0x90000046  }
0xb2: {  	s29 =	simm.s32 $0x9;
	_ =	strace $0x80000048  }
0xb3: {  	_ =	swait.ge [sflag:s29], $0x1  }
0xb4: {  	[sflag:s29] =	ssyncadd.s32 $0xFFFFFFFF  }
0xb5: {  	_ =	strace $0x90000048  }
0xb6: {  	_ =	sfence  }
0xb7: {  	s30 =	sld [smem:$0x0];
	_ =	sdelay $0x2  }
0xb8: {  	s31 =	sshll.u32 s1, $0xD;
	s1 =	sshrl.u32 s1, $0x2  }
0xb9: {  	s3 =	sand.u32 $0x4000, s31;
	s1 =	sadd.s32 s1, s30  }
0xba: {  	s0 =	sor.u32 s3, s0;
	s1 =	sshll.u32 s1, $0x11  }
0xbb: {  	s0 =	sor.u32 s1, s0  }
0xbc: {  	s0 =	sadd.s32 $0x8F2B, s0  }
0xbd: {  	[sflag:s0] =	ssyncadd.remote.s32 $0x1  }
0xbe: {  	_ =	sfence.sel $0xFFFF  }
0xbf: {  	[dreg:$0x0] =	wrdreg $0xFFFFFFFF;
	(pc) =	sbr.abs _section_cstart, $3  }
0xc0: {  	[dreg:$0x1] =	wrdreg $0xFFFFFFFF  }
0xc1: {  	_ =	task.clear_ibuf [dreg:s7], $0x2FFFF;
	_ =	strace $0x9FFFFFFF  }
0xc2: {  	(tm) =	ssettm $0x7FFFFFFF  }
0xc3: {  	_ =	shalt  }
tec
execute0_lowered:
.L_overlay_start_1:
0x0: {  	(tag) =	ssettag $0x1  }
0x1: {  	s0 =	rddreg [dreg:$0x0]  }
0x2: {  	s1 =	srdreg.scid;
	s3 =	stileid.u32  }
0x3: {  	s2 =	rddreg [dreg:$0x1];
	s8 =	simm.s32 $0x0;
	s1 =	sand.u32 $0x1, s1  }
0x4: {  	s3 =	sshll.u32 s3, $0x1;
	[smem:$0x7FF] =	sst s8;
	s6 =	sadd.s32 $0x5200, s0  }
0x5: {  	s19 =	sadd.s32 $0xF47600, s0;
	_ =	strace $0x80000047;
	[dreg:$0x3] =	wrdreg s6  }
0x6: {  	s20 =	sadd.s32 $0x345E00, s0;
	s21 =	sadd.s32 $0x315000, s0;
	[dreg:$0x4] =	wrdreg s19  }
0x7: {  	s7 =	sadd.s32 $0x2E4200, s0;
	s23 =	sadd.s32 $0x2B3400, s0;
	[dreg:$0x5] =	wrdreg s20  }
0x8: {  	s24 =	sadd.s32 $0x16E8800, s0;
	s10 =	sadd.s32 $0x282600, s0;
	[dreg:$0x6] =	wrdreg s21  }
0x9: {  	s11 =	sadd.s32 $0x251800, s0;
	s12 =	sadd.s32 $0x220A00, s0;
	[dreg:$0x7] =	wrdreg s7  }
0xa: {  	s13 =	sadd.s32 $0x1EFC00, s0;
	s3 =	sor.u32 s1, s3;
	[dreg:$0x8] =	wrdreg s23  }
0xb: {  	[dreg:$0x9] =	wrdreg s24;
	s1 =	ssub.s32 $0x2, s1;
	s4 =	smul.u32 $0xFA0, s3  }
0xc: {  	s20 =	simm.s32 $0x2;
	s5 =	smul.u32 $0x50, s3;
	s22 =	sshll.u32 s3, $0x8  }
0xd: {  	s23 =	simm.s32 $0x80;
	s26 =	smul.u32 $0x320, s3;
	s6 =	sadd.s32 s22, s0  }
0xe: {  	s25 =	sshrl.u32 s1, $0x1;
	s17 =	smul.u32 $0x19000, s3;
	s30 =	sadd.s32 $0x88600, s6  }
0xf: {  	s4 =	sadd.s32 s4, s0;
	s31 =	sadd.s32 s2, s26;
	[dreg:$0xc] =	wrdreg s30  }
0x10: {  	s5 =	sadd.s32 s5, s0;
	s28 =	sadd.s32 $0x69200, s4;
	[dreg:$0xd] =	wrdreg s31  }
0x11: {  	s0 =	ssub.s32 s1, s25;
	s29 =	sadd.s32 $0x8A600, s5;
	[dreg:$0xa] =	wrdreg s28  }
0x12: {  	v0 =	vlaneseq.u32;
	s25 =	simm.s32 $0x1;
	s0 =	smax.u32 s0, $0x1;
	[dreg:$0xb] =	wrdreg s29  }
0x13: {  	v0 =	vmul.u32 $0x10, v0;
	s1 =	simm.s32 $0x10F80;
	s2 =	simm.s32 $0x0;
	[dreg:$0xe] =	wrdreg s0  }
.LBB2_1:
0x14: {  	[dreg:$0xf] =	wrdreg s2  }
0x15: {  	s0 =	rddreg [dreg:$0xa]  }
0x16: {  	[tilespmem:s8], [sflag:$0x2] =	stream.linear.gather [hbm4b:s0+s8], $0x7D00, $0x38;
	[tilespmem:$0x13080] =	vst v63  }
0x17: {  	_ =	swait.ge [sflag:s20], $0x7D00  }
0x18: {  	[sflag:s20] =	ssyncset.done $0x0  }
0x19: {  	s6 =	simm.s32 $0x7D00;
	s5 =	rddreg [dreg:$0xb];
	[sflag:s20] =	ssyncadd.s32 $0xFFFF8300  }
0x1a: {  	[tilespmem:s6], [sflag:$0x2] =	stream.linear.gather [hbm4b:s5+s8], $0x280, $0x38;
	[tilespmem:$0x13080] =	vst v63  }
0x1b: {  	_ =	swait.ge [sflag:s20], $0x280  }
0x1c: {  	[sflag:s20] =	ssyncset.done $0x0  }
0x1d: {  	s3 =	simm.s32 $0xBF80;
	s7 =	rddreg [dreg:$0xc];
	[sflag:s20] =	ssyncadd.s32 $0xFFFFFD80  }
0x1e: {  	[tilespmem:s3], [sflag:$0x2] =	stream.linear.gather [hbm4b:s7+s8], $0x800, $0x38;
	[tilespmem:$0x13080] =	vst v63  }
0x1f: {  	_ =	swait.ge [sflag:s20], $0x800  }
0x20: {  	[sflag:s20] =	ssyncset.done $0x0  }
0x21: {  	s14 =	simm.s32 $0x7F80;
	s9 =	rddreg [dreg:$0x4];
	[sflag:s20] =	ssyncadd.s32 $0xFFFFF800  }
0x22: {  	[tilespmem:s14], [sflag:$0x1] =	stream.indirect.gather [hbm4b:s9+s23], $0x40, s6, s23, $0xb8;
	[tilespmem:$0x13080] =	vst v63  }
0x23: {  	_ =	swait.ge [sflag:s25], $0x2000  }
0x24: {  	s16 =	simm.s32 $0x7D80;
	[sflag:s25] =	ssyncset.done $0x0  }
0x25: {  	s18 =	simm.s32 $0x9F80;
	s15 =	rddreg [dreg:$0x5];
	[sflag:s25] =	ssyncadd.s32 $0xFFFFE000  }
0x26: {  	[tilespmem:s18], [sflag:$0x1] =	stream.indirect.gather [hbm4b:s15+s23], $0x10, s16, s23, $0xb8;
	[tilespmem:$0x13080] =	vst v63  }
0x27: {  	_ =	swait.ge [sflag:s25], $0x800  }
0x28: {  	s21 =	simm.s32 $0x7E00;
	[sflag:s25] =	ssyncset.done $0x0  }
0x29: {  	s22 =	simm.s32 $0xA780;
	s19 =	rddreg [dreg:$0x6];
	[sflag:s25] =	ssyncadd.s32 $0xFFFFF800  }
0x2a: {  	[tilespmem:s22], [sflag:$0x1] =	stream.indirect.gather [hbm4b:s19+s23], $0x10, s21, s23, $0xb8;
	[tilespmem:$0x13080] =	vst v63  }
0x2b: {  	_ =	swait.ge [sflag:s25], $0x800  }
0x2c: {  	s26 =	simm.s32 $0x7E80;
	[sflag:s25] =	ssyncset.done $0x0  }
0x2d: {  	s28 =	simm.s32 $0xAF80;
	s24 =	rddreg [dreg:$0x7];
	[sflag:s25] =	ssyncadd.s32 $0xFFFFF800  }
0x2e: {  	[tilespmem:s28], [sflag:$0x1] =	stream.indirect.gather [hbm4b:s24+s23], $0x10, s26, s23, $0xb8;
	[tilespmem:$0x13080] =	vst v63  }
0x2f: {  	_ =	swait.ge [sflag:s25], $0x800  }
0x30: {  	s30 =	simm.s32 $0x7F00;
	[sflag:s25] =	ssyncset.done $0x0  }
0x31: {  	s31 =	simm.s32 $0xB780;
	s29 =	rddreg [dreg:$0x8];
	[sflag:s25] =	ssyncadd.s32 $0xFFFFF800  }
0x32: {  	[tilespmem:s31], [sflag:$0x1] =	stream.indirect.gather [hbm4b:s29+s23], $0x10, s30, s23, $0xb8;
	[tilespmem:$0x13080] =	vst v63  }
0x33: {  	_ =	swait.ge [sflag:s25], $0x800  }
0x34: {  	s4 =	simm.s32 $0x0;
	[sflag:s25] =	ssyncset.done $0x0  }
0x35: {  	s0 =	simm.s32 $0x11780;
	s5 =	simm.s32 $0x0;
	[sflag:s25] =	ssyncadd.s32 $0xFFFFF800  }
.LBB2_2:
0x36: {  	s2 =	sshll.u32 s5, $0x7;
	s3 =	rddreg [dreg:$0x9];
	s6 =	simm.s32 $0xC780  }
0x37: {  	[tilespmem:s6], [sflag:$0x1] =	stream.indirect.gather [hbm4b:s3+s23], $0x40, s2, s23, $0xb8;
	[tilespmem:$0x13080] =	vst v63  }
0x38: {  	_ =	swait.ge [sflag:s25], $0x2000  }
0x39: {  	[sflag:s25] =	ssyncset.done $0x0  }
0x3a: {  	s9 =	simm.s32 $0xE780;
	s7 =	sadd.s32 $0x1900, s2;
	[sflag:s25] =	ssyncadd.s32 $0xFFFFE000  }
0x3b: {  	[tilespmem:s9], [sflag:$0x1] =	stream.indirect.gather [hbm4b:s10+s23], $0x10, s7, s23, $0xb8;
	[tilespmem:$0x13080] =	vst v63  }
0x3c: {  	_ =	swait.ge [sflag:s25], $0x800  }
0x3d: {  	[sflag:s25] =	ssyncset.done $0x0  }
0x3e: {  	s15 =	simm.s32 $0xEF80;
	s14 =	sadd.s32 $0x3200, s2;
	[sflag:s25] =	ssyncadd.s32 $0xFFFFF800  }
0x3f: {  	[tilespmem:s15], [sflag:$0x1] =	stream.indirect.gather [hbm4b:s11+s23], $0x10, s14, s23, $0xb8;
	[tilespmem:$0x13080] =	vst v63  }
0x40: {  	_ =	swait.ge [sflag:s25], $0x800  }
0x41: {  	[sflag:s25] =	ssyncset.done $0x0  }
0x42: {  	s18 =	simm.s32 $0xF780;
	s16 =	sadd.s32 $0x4B00, s2;
	[sflag:s25] =	ssyncadd.s32 $0xFFFFF800  }
0x43: {  	[tilespmem:s18], [sflag:$0x1] =	stream.indirect.gather [hbm4b:s12+s23], $0x10, s16, s23, $0xb8;
	[tilespmem:$0x13080] =	vst v63  }
0x44: {  	_ =	swait.ge [sflag:s25], $0x800  }
0x45: {  	s19 =	simm.s32 $0xFF80;
	[sflag:s25] =	ssyncset.done $0x0  }
0x46: {  	s21 =	sshll.u32 s5, $0xB;
	s2 =	sadd.s32 $0x6400, s2;
	[sflag:s25] =	ssyncadd.s32 $0xFFFFF800  }
0x47: {  	[tilespmem:s19], [sflag:$0x1] =	stream.indirect.gather [hbm4b:s13+s23], $0x10, s2, s23, $0xb8;
	[tilespmem:$0x13080] =	vst v63  }
0x48: {  	s2 =	sadd.s32 s17, s21;
	_ =	swait.ge [sflag:s25], $0x800  }
0x49: {  	s2 =	sshrl.u32 s2, $0x3;
	[sflag:s25] =	ssyncset.done $0x0;
	s22 =	rddreg [dreg:$0x3]  }
0x4a: {  	s24 =	simm.s32 $0x10780;
	[sflag:s25] =	ssyncadd.s32 $0xFFFFF800;
	s2 =	sadd.s32 s22, s2  }
0x4b: {  	[tilespmem:s24], [sflag:$0x2] =	stream.linear.gather [hbm4b:s2+s8], $0x800, $0x38;
	[tilespmem:$0x13080] =	vst v63  }
0x4c: {  	s26 =	sadd.s32 $0x0, s4;
	_ =	swait.ge [sflag:s20], $0x800  }
0x4d: {  	s2 =	smulhi.u32 $0x51EB851F, s26;
	[sflag:s20] =	ssyncset.done $0x0  }
0x4e: {  	s14 =	simm.s32 $0x10790;
	[sflag:s20] =	ssyncadd.s32 $0xFFFFF800  }
0x4f: {  	s6 =	sand.u32 $0x7FFFFFF0, s2;
	v1 =	vld [tilespmem:s14+$0xFFFFFFF0]  }
0x50: {  	s7 =	simm.s32 $0xC7C0;
	s2 =	sshll.u32 s2, $0x2;
	v2 =	vld [tilespmem:s6+$0xBF80]  }
0x51: {  	s21 =	sand.u32 $0x3FFFFFC0, s2;
	v3 =	vld [tilespmem:s7+$0xFFFFFFC0]  }
0x52: {  	v4 =	vld [tilespmem:s21+$0x7F80]  }
0x53: {  	v5 =	vld [tilespmem:s7+$0xFFFFFFD0]  }
0x54: {  	v6 =	vld [tilespmem:s21+$0x7F90]  }
0x55: {  	v7 =	vld [tilespmem:s7+$0xFFFFFFE0]  }
0x56: {  	v8 =	vld [tilespmem:s21+$0x7FA0]  }
0x57: {  	v1 =	vmul.f32 v1, v2;
	v2 =	vmul.f32 v3, v4;
	v3 =	vld [tilespmem:s7+$0xFFFFFFF0]  }
0x58: {  	s15 =	simm.s32 $0xE790;
	v4 =	vld [tilespmem:s21+$0x7FB0]  }
0x59: {  	v1 =	vadd.f32 v2, v1;
	v2 =	vmul.f32 v5, v6;
	v5 =	vld [tilespmem:s15+$0xFFFFFFF0]  }
0x5a: {  	v6 =	vld [tilespmem:s6+$0x9F80]  }
0x5b: {  	v1 =	vadd.f32 v2, v1;
	v2 =	vmul.f32 v7, v8;
	_ =	sdelay $0x1  }
0x5c: {  	s16 =	simm.s32 $0xEF90;
	v63 =	vld [tilespmem:s6+$0xA780];
	v1 =	vadd.f32 v2, v1;
	v2 =	vmul.f32 v3, v4  }
0x5d: {  	v7 =	vld [tilespmem:s16+$0xFFFFFFF0]  }
0x5e: {  	s22 =	simm.s32 $0xF790;
	v9 =	vld [tilespmem:s6+$0xAF80];
	v1 =	vadd.f32 v2, v1;
	v2 =	vmul.f32 v5, v6  }
0x5f: {  	s24 =	simm.s32 $0xFF90;
	v4 =	vld [tilespmem:s22+$0xFFFFFFF0]  }
0x60: {  	v3 =	vadd.f32 v2, v1;
	v1 =	vld [tilespmem:s24+$0xFFFFFFF0]  }
0x61: {  	v2 =	vld [tilespmem:s6+$0xB780]  }
0x62: {  	v5 =	vmul.f32 v7, v63  }
0x63: {  	s28 =	simm.s32 $0xE7B0;
	s29 =	simm.s32 $0xEFB0;
	s30 =	simm.s32 $0xC840  }
0x64: {  	s31 =	simm.s32 $0x10FB0;
	s18 =	simm.s32 $0xFF90;
	s19 =	simm.s32 $0xF790;
	v4 =	vmul.f32 v4, v9;
	v3 =	vadd.f32 v5, v3  }
0x65: {  	s8 =	simm.s32 $0x10F90;
	s26 =	simm.s32 $0x0;
	s2 =	simm.s32 $0x107B0  }
.LBB2_3:
0x66: {  	s26 =	sadd.s32 $0x2, s26;
	v3 =	vadd.f32 v4, v3;
	v1 =	vmul.f32 v1, v2;
	s24 =	sadd.s32 $0x20, s24;
	s22 =	sadd.s32 $0x20, s22  }
0x67: {  	s3 =	sadd.s32 s4, s26;
	p0 =	slt.u32 s26, $0x7E  }
0x68: {  	s3 =	smulhi.u32 $0x51EB851F, s3;
	v1 =	vadd.f32 v1, v3;
	_ =	sdelay $0x1  }
0x69: {  	s9 =	sand.u32 $0x7FFFFFF0, s3;
	s3 =	sshll.u32 s3, $0x2;
	[tilespmem:s8+$0xFFFFFFF0] =	vst v1  }
0x6a: {  	s3 =	sand.u32 $0x3FFFFFC0, s3;
	v1 =	vld [tilespmem:s21+$0x7F80]  }
0x6b: {  	v2 =	vld [tilespmem:s7+$0x0]  }
0x6c: {  	v3 =	vld [tilespmem:s14+$0x0];
	s14 =	smov.u32 s2  }
0x6d: {  	v4 =	vld [tilespmem:s6+$0xBF80]  }
0x6e: {  	v5 =	vld [tilespmem:s21+$0x7F90]  }
0x6f: {  	v6 =	vld [tilespmem:s7+$0x10]  }
0x70: {  	v1 =	vmul.f32 v2, v1;
	v2 =	vld [tilespmem:s21+$0x7FA0]  }
0x71: {  	v7 =	vld [tilespmem:s7+$0x20]  }
0x72: {  	v3 =	vmul.f32 v3, v4;
	v4 =	vld [tilespmem:s21+$0x7FB0];
	s21 =	smov.u32 s3  }
0x73: {  	v8 =	vld [tilespmem:s7+$0x30];
	s7 =	smov.u32 s30  }
0x74: {  	v1 =	vadd.f32 v1, v3;
	v3 =	vmul.f32 v6, v5;
	v5 =	vld [tilespmem:s6+$0x9F80]  }
0x75: {  	v6 =	vld [tilespmem:s15+$0x0];
	s15 =	smov.u32 s28  }
0x76: {  	v1 =	vadd.f32 v3, v1;
	v2 =	vmul.f32 v7, v2;
	v3 =	vld [tilespmem:s6+$0xA780]  }
0x77: {  	v7 =	vld [tilespmem:s16+$0x0];
	s16 =	smov.u32 s29  }
0x78: {  	v1 =	vadd.f32 v2, v1;
	v2 =	vmul.f32 v8, v4;
	v4 =	vld [tilespmem:s6+$0xAF80]  }
0x79: {  	v8 =	vld [tilespmem:s19+$0x0];
	s19 =	smov.u32 s22  }
0x7a: {  	v1 =	vadd.f32 v2, v1;
	v2 =	vmul.f32 v6, v5;
	v5 =	vld [tilespmem:s6+$0xB780];
	s6 =	smov.u32 s9  }
0x7b: {  	v6 =	vld [tilespmem:s18+$0x0];
	s18 =	smov.u32 s24  }
0x7c: {  	v1 =	vadd.f32 v2, v1;
	v2 =	vmul.f32 v7, v3;
	_ =	sdelay $0x1  }
0x7d: {  	v1 =	vadd.f32 v2, v1;
	v2 =	vmul.f32 v8, v4;
	_ =	sdelay $0x1  }
0x7e: {  	v1 =	vadd.f32 v2, v1;
	v2 =	vmul.f32 v6, v5;
	_ =	sdelay $0x1  }
0x7f: {  	v1 =	vadd.f32 v2, v1;
	_ =	sdelay $0x1  }
0x80: {  	[tilespmem:s8+$0x0] =	vst v1;
	s8 =	smov.u32 s31  }
0x81: {  	v1 =	vld [tilespmem:s2+$0xFFFFFFF0]  }
0x82: {  	v2 =	vld [tilespmem:s6+$0xBF80]  }
0x83: {  	v3 =	vld [tilespmem:s30+$0xFFFFFFC0]  }
0x84: {  	v4 =	vld [tilespmem:s21+$0x7F80]  }
0x85: {  	v5 =	vld [tilespmem:s30+$0xFFFFFFD0]  }
0x86: {  	v6 =	vld [tilespmem:s21+$0x7F90]  }
0x87: {  	v7 =	vld [tilespmem:s30+$0xFFFFFFE0]  }
0x88: {  	v8 =	vld [tilespmem:s21+$0x7FA0]  }
0x89: {  	v1 =	vmul.f32 v1, v2;
	v2 =	vmul.f32 v3, v4;
	v3 =	vld [tilespmem:s30+$0xFFFFFFF0]  }
0x8a: {  	v4 =	vld [tilespmem:s21+$0x7FB0]  }
0x8b: {  	v1 =	vadd.f32 v2, v1;
	v2 =	vmul.f32 v5, v6;
	v5 =	vld [tilespmem:s28+$0xFFFFFFF0]  }
0x8c: {  	v6 =	vld [tilespmem:s6+$0x9F80]  }
0x8d: {  	v1 =	vadd.f32 v2, v1;
	v2 =	vmul.f32 v7, v8;
	v7 =	vld [tilespmem:s29+$0xFFFFFFF0]  }
0x8e: {  	v8 =	vld [tilespmem:s6+$0xA780]  }
0x8f: {  	v1 =	vadd.f32 v2, v1;
	v2 =	vmul.f32 v3, v4;
	v4 =	vld [tilespmem:s22+$0xFFFFFFF0]  }
0x90: {  	v9 =	vld [tilespmem:s6+$0xAF80]  }
0x91: {  	v3 =	vadd.f32 v2, v1;
	v5 =	vmul.f32 v5, v6;
	v1 =	vld [tilespmem:s24+$0xFFFFFFF0]  }
.Ltmp0:
0x92: {  	v2 =	vld [tilespmem:s6+$0xB780];
	(pc) =	sbr.rel @p0 .LBB2_3-.Ltmp0, $3  }
0x93: {  	v3 =	vadd.f32 v5, v3;
	v5 =	vmul.f32 v7, v8;
	_ =	sdelay $0x1  }
0x94: {  	s3 =	simm.s32 $0x0;
	s28 =	sadd.s32 $0x20, s28;
	s29 =	sadd.s32 $0x20, s29;
	v3 =	vadd.f32 v5, v3;
	v4 =	vmul.f32 v4, v9  }
0x95: {  	s31 =	sadd.s32 $0x20, s31;
	s2 =	sadd.s32 $0x20, s2;
	s30 =	sadd.s32 $0x80, s30  }
0x96: {  	v3 =	vadd.f32 v4, v3;
	v1 =	vmul.f32 v1, v2;
	_ =	sdelay $0x1  }
0x97: {  	v1 =	vadd.f32 v1, v3;
	_ =	sdelay $0x1  }
0x98: {  	[tilespmem:s8+$0xFFFFFFF0] =	vst v1  }
0x99: {  	v1 =	vld [tilespmem:s21+$0x7F80]  }
0x9a: {  	v2 =	vld [tilespmem:s7+$0x0]  }
0x9b: {  	v3 =	vld [tilespmem:s14+$0x0]  }
0x9c: {  	v4 =	vld [tilespmem:s6+$0xBF80]  }
0x9d: {  	v5 =	vld [tilespmem:s21+$0x7F90]  }
0x9e: {  	v6 =	vld [tilespmem:s7+$0x10]  }
0x9f: {  	v7 =	vld [tilespmem:s21+$0x7FA0]  }
0xa0: {  	v8 =	vld [tilespmem:s7+$0x20]  }
0xa1: {  	v1 =	vmul.f32 v2, v1;
	v2 =	vmul.f32 v3, v4;
	v3 =	vld [tilespmem:s21+$0x7FB0]  }
0xa2: {  	v4 =	vld [tilespmem:s7+$0x30]  }
0xa3: {  	v1 =	vadd.f32 v1, v2;
	v2 =	vmul.f32 v6, v5;
	v5 =	vld [tilespmem:s6+$0x9F80]  }
0xa4: {  	v6 =	vld [tilespmem:s15+$0x0]  }
0xa5: {  	v57 =	vld [tilespmem:s16+$0x0];
	v1 =	vadd.f32 v2, v1;
	v2 =	vmul.f32 v8, v7  }
0xa6: {  	v7 =	vld [tilespmem:s6+$0xA780]  }
0xa7: {  	v1 =	vadd.f32 v2, v1;
	v2 =	vmul.f32 v4, v3;
	v3 =	vld [tilespmem:s6+$0xAF80]  }
0xa8: {  	v4 =	vld [tilespmem:s19+$0x0]  }
0xa9: {  	v1 =	vadd.f32 v2, v1;
	v2 =	vmul.f32 v6, v5;
	v5 =	vld [tilespmem:s6+$0xB780]  }
0xaa: {  	v6 =	vld [tilespmem:s18+$0x0]  }
0xab: {  	v1 =	vadd.f32 v2, v1;
	v2 =	vmul.f32 v57, v7;
	_ =	sdelay $0x1  }
0xac: {  	v1 =	vadd.f32 v2, v1;
	v2 =	vmul.f32 v4, v3;
	v3 =	vmov s3  }
0xad: {  	v3 =	vshll.u32 v3, $0x4  }
0xae: {  	v1 =	vadd.f32 v2, v1;
	v2 =	vmul.f32 v6, v5;
	v3 =	vor.u32 v0, v3;
	_ =	sdelay $0x1  }
0xaf: {  	v1 =	vadd.f32 v2, v1;
	v2 =	vor.u32 $0x1, v3;
	_ =	sdelay $0x1  }
0xb0: {  	[tilespmem:s8+$0x0] =	vst v1;
	v1 =	vor.u32 $0x2, v3  }
0xb1: {  	v4 =	vld.idx.msk [tilespmem:v3+s1+$0x0], $0xffff  }
0xb2: {  	v5 =	vor.u32 $0x3, v3  }
0xb3: {  	v2 =	vld.idx.msk [tilespmem:v2+s1+$0x0], $0xffff  }
0xb4: {  	v6 =	vor.u32 $0x4, v3  }
0xb5: {  	v1 =	vld.idx.msk [tilespmem:v1+s1+$0x0], $0xffff  }
0xb6: {  	v7 =	vor.u32 $0x5, v3;
	v4 =	vadd.f32 $0.0e+00, v4  }
0xb7: {  	v5 =	vld.idx.msk [tilespmem:v5+s1+$0x0], $0xffff  }
0xb8: {  	v58 =	vor.u32 $0x6, v3;
	v2 =	vadd.f32 v2, v4  }
0xb9: {  	v4 =	vld.idx.msk [tilespmem:v6+s1+$0x0], $0xffff  }
0xba: {  	v6 =	vor.u32 $0x7, v3;
	v1 =	vadd.f32 v1, v2  }
0xbb: {  	v2 =	vld.idx.msk [tilespmem:v7+s1+$0x0], $0xffff  }
0xbc: {  	v7 =	vor.u32 $0x8, v3;
	v1 =	vadd.f32 v5, v1  }
0xbd: {  	v5 =	vld.idx.msk [tilespmem:v58+s1+$0x0], $0xffff  }
0xbe: {  	v59 =	vor.u32 $0x9, v3;
	v1 =	vadd.f32 v4, v1  }
0xbf: {  	v4 =	vld.idx.msk [tilespmem:v6+s1+$0x0], $0xffff  }
0xc0: {  	v6 =	vor.u32 $0xA, v3;
	v1 =	vadd.f32 v2, v1  }
0xc1: {  	v2 =	vld.idx.msk [tilespmem:v7+s1+$0x0], $0xffff  }
0xc2: {  	v7 =	vor.u32 $0xB, v3;
	v1 =	vadd.f32 v5, v1  }
0xc3: {  	v5 =	vld.idx.msk [tilespmem:v59+s1+$0x0], $0xffff  }
0xc4: {  	v60 =	vor.u32 $0xC, v3;
	v1 =	vadd.f32 v4, v1  }
0xc5: {  	v4 =	vld.idx.msk [tilespmem:v6+s1+$0x0], $0xffff  }
0xc6: {  	v6 =	vor.u32 $0xD, v3;
	v1 =	vadd.f32 v2, v1  }
0xc7: {  	v2 =	vld.idx.msk [tilespmem:v7+s1+$0x0], $0xffff  }
0xc8: {  	v7 =	vor.u32 $0xE, v3;
	v1 =	vadd.f32 v5, v1  }
0xc9: {  	v5 =	vld.idx.msk [tilespmem:v60+s1+$0x0], $0xffff  }
0xca: {  	v3 =	vor.u32 $0xF, v3;
	v1 =	vadd.f32 v4, v1  }
0xcb: {  	v4 =	vld.idx.msk [tilespmem:v6+s1+$0x0], $0xffff  }
0xcc: {  	v1 =	vadd.f32 v2, v1  }
0xcd: {  	v2 =	vld.idx.msk [tilespmem:v7+s1+$0x0], $0xffff  }
0xce: {  	v1 =	vadd.f32 v5, v1  }
0xcf: {  	s2 =	simm.s32 $0x10;
	v3 =	vld.idx.msk [tilespmem:v3+s1+$0x0], $0xffff  }
0xd0: {  	v5 =	vmov s2;
	v1 =	vadd.f32 v4, v1  }
0xd1: {  	v4 =	vshll.u32 v5, $0x4  }
0xd2: {  	v4 =	vor.u32 v0, v4;
	v1 =	vadd.f32 v2, v1;
	_ =	sdelay $0x1  }
0xd3: {  	v2 =	vor.u32 $0x1, v4;
	v1 =	vadd.f32 v3, v1;
	_ =	sdelay $0x1  }
0xd4: {  	v3 =	vor.u32 $0x2, v4;
	[tilespmem:s0+$0x0] =	vst v1  }
0xd5: {  	v1 =	vld.idx.msk [tilespmem:v4+s1+$0x0], $0xffff  }
0xd6: {  	v5 =	vor.u32 $0x3, v4  }
0xd7: {  	v2 =	vld.idx.msk [tilespmem:v2+s1+$0x0], $0xffff  }
0xd8: {  	v6 =	vor.u32 $0x4, v4  }
0xd9: {  	v3 =	vld.idx.msk [tilespmem:v3+s1+$0x0], $0xffff  }
0xda: {  	v7 =	vor.u32 $0x5, v4;
	v1 =	vadd.f32 $0.0e+00, v1  }
0xdb: {  	v5 =	vld.idx.msk [tilespmem:v5+s1+$0x0], $0xffff  }
0xdc: {  	v61 =	vor.u32 $0x6, v4;
	v1 =	vadd.f32 v2, v1  }
0xdd: {  	v2 =	vld.idx.msk [tilespmem:v6+s1+$0x0], $0xffff  }
0xde: {  	v6 =	vor.u32 $0x7, v4;
	v1 =	vadd.f32 v3, v1  }
0xdf: {  	v3 =	vld.idx.msk [tilespmem:v7+s1+$0x0], $0xffff  }
0xe0: {  	v7 =	vor.u32 $0x8, v4;
	v1 =	vadd.f32 v5, v1  }
0xe1: {  	v5 =	vld.idx.msk [tilespmem:v61+s1+$0x0], $0xffff  }
0xe2: {  	v62 =	vor.u32 $0x9, v4;
	v1 =	vadd.f32 v2, v1  }
0xe3: {  	v2 =	vld.idx.msk [tilespmem:v6+s1+$0x0], $0xffff  }
0xe4: {  	v6 =	vor.u32 $0xA, v4;
	v1 =	vadd.f32 v3, v1  }
0xe5: {  	v3 =	vld.idx.msk [tilespmem:v7+s1+$0x0], $0xffff  }
0xe6: {  	v7 =	vor.u32 $0xB, v4;
	v1 =	vadd.f32 v5, v1  }
0xe7: {  	v5 =	vld.idx.msk [tilespmem:v62+s1+$0x0], $0xffff  }
0xe8: {  	v63 =	vor.u32 $0xC, v4;
	v1 =	vadd.f32 v2, v1  }
0xe9: {  	v2 =	vld.idx.msk [tilespmem:v6+s1+$0x0], $0xffff  }
0xea: {  	v6 =	vor.u32 $0xD, v4;
	v1 =	vadd.f32 v3, v1  }
0xeb: {  	v3 =	vld.idx.msk [tilespmem:v7+s1+$0x0], $0xffff  }
0xec: {  	v7 =	vor.u32 $0xE, v4;
	v1 =	vadd.f32 v5, v1  }
0xed: {  	v5 =	vld.idx.msk [tilespmem:v63+s1+$0x0], $0xffff  }
0xee: {  	v4 =	vor.u32 $0xF, v4;
	v1 =	vadd.f32 v2, v1  }
0xef: {  	v6 =	vld.idx.msk [tilespmem:v6+s1+$0x0], $0xffff  }
0xf0: {  	v1 =	vadd.f32 v3, v1  }
0xf1: {  	v2 =	vld.idx.msk [tilespmem:v7+s1+$0x0], $0xffff  }
0xf2: {  	v3 =	vadd.f32 v5, v1  }
0xf3: {  	s31 =	simm.s32 $0x20;
	v1 =	vld.idx.msk [tilespmem:v4+s1+$0x0], $0xffff  }
0xf4: {  	s6 =	simm.s32 $0x30;
	s2 =	smov.u32 s0;
	v4 =	vmov s31;
	v3 =	vadd.f32 v6, v3  }
.LBB2_5:
0xf5: {  	p0 =	sne.s32 s6, $0x70;
	v4 =	vshll.u32 v4, $0x4  }
0xf6: {  	v4 =	vor.u32 v0, v4;
	v2 =	vadd.f32 v2, v3;
	_ =	sdelay $0x1  }
0xf7: {  	v3 =	vor.u32 $0x1, v4;
	v1 =	vadd.f32 v1, v2  }
0xf8: {  	s2 =	sadd.s32 $0x10, s2  }
0xf9: {  	v2 =	vor.u32 $0x2, v4;
	[tilespmem:s2+$0x0] =	vst v1  }
0xfa: {  	v1 =	vld.idx.msk [tilespmem:v4+s1+$0x0], $0xffff  }
0xfb: {  	v5 =	vor.u32 $0x3, v4  }
0xfc: {  	v3 =	vld.idx.msk [tilespmem:v3+s1+$0x0], $0xffff  }
0xfd: {  	v6 =	vor.u32 $0x4, v4  }
0xfe: {  	v2 =	vld.idx.msk [tilespmem:v2+s1+$0x0], $0xffff  }
0xff: {  	v7 =	vor.u32 $0x5, v4  }
0x100: {  	v1 =	vadd.f32 $0.0e+00, v1;
	v5 =	vld.idx.msk [tilespmem:v5+s1+$0x0], $0xffff  }
0x101: {  	v8 =	vor.u32 $0x6, v4  }
0x102: {  	v1 =	vadd.f32 v3, v1;
	v3 =	vld.idx.msk [tilespmem:v6+s1+$0x0], $0xffff  }
0x103: {  	v6 =	vor.u32 $0x7, v4  }
0x104: {  	v1 =	vadd.f32 v2, v1;
	v2 =	vld.idx.msk [tilespmem:v7+s1+$0x0], $0xffff  }
0x105: {  	v7 =	vor.u32 $0x8, v4  }
0x106: {  	v1 =	vadd.f32 v5, v1;
	v5 =	vld.idx.msk [tilespmem:v8+s1+$0x0], $0xffff  }
0x107: {  	v8 =	vor.u32 $0x9, v4  }
0x108: {  	v1 =	vadd.f32 v3, v1;
	v3 =	vld.idx.msk [tilespmem:v6+s1+$0x0], $0xffff  }
0x109: {  	v6 =	vor.u32 $0xA, v4  }
0x10a: {  	v1 =	vadd.f32 v2, v1;
	v2 =	vld.idx.msk [tilespmem:v7+s1+$0x0], $0xffff  }
0x10b: {  	v7 =	vor.u32 $0xB, v4  }
0x10c: {  	v1 =	vadd.f32 v5, v1;
	v5 =	vld.idx.msk [tilespmem:v8+s1+$0x0], $0xffff  }
0x10d: {  	v8 =	vor.u32 $0xC, v4  }
0x10e: {  	v1 =	vadd.f32 v3, v1;
	v3 =	vld.idx.msk [tilespmem:v6+s1+$0x0], $0xffff  }
0x10f: {  	v6 =	vor.u32 $0xD, v4  }
0x110: {  	v1 =	vadd.f32 v2, v1;
	v2 =	vld.idx.msk [tilespmem:v7+s1+$0x0], $0xffff  }
0x111: {  	v7 =	vor.u32 $0xE, v4  }
0x112: {  	v1 =	vadd.f32 v5, v1;
	v5 =	vld.idx.msk [tilespmem:v8+s1+$0x0], $0xffff  }
0x113: {  	v4 =	vor.u32 $0xF, v4  }
0x114: {  	v1 =	vadd.f32 v3, v1;
	v3 =	vld.idx.msk [tilespmem:v6+s1+$0x0], $0xffff;
	_ =	sdelay $0x1  }
.Ltmp1:
0x115: {  	v1 =	vadd.f32 v2, v1;
	v2 =	vld.idx.msk [tilespmem:v7+s1+$0x0], $0xffff;
	(pc) =	sbr.rel @p0 .LBB2_5-.Ltmp1, $3  }
0x116: {  	_ = 	snop  }
0x117: {  	v5 =	vadd.f32 v5, v1;
	v1 =	vld.idx.msk [tilespmem:v4+s1+$0x0], $0xffff;
	_ =	sdelay $0x1  }
0x118: {  	v4 =	vmov s6;
	s6 =	sadd.s32 $0x10, s6;
	v3 =	vadd.f32 v3, v5  }
0x119: {  	v4 =	vshll.u32 v4, $0x4  }
0x11a: {  	v4 =	vor.u32 v0, v4;
	v2 =	vadd.f32 v2, v3;
	_ =	sdelay $0x1  }
0x11b: {  	v3 =	vor.u32 $0x1, v4;
	v1 =	vadd.f32 v1, v2  }
0x11c: {  	s2 =	sadd.s32 $0x10, s2  }
0x11d: {  	v2 =	vor.u32 $0x2, v4;
	[tilespmem:s2+$0x0] =	vst v1  }
0x11e: {  	v1 =	vld.idx.msk [tilespmem:v4+s1+$0x0], $0xffff  }
0x11f: {  	v5 =	vor.u32 $0x3, v4  }
0x120: {  	v3 =	vld.idx.msk [tilespmem:v3+s1+$0x0], $0xffff  }
0x121: {  	v6 =	vor.u32 $0x4, v4  }
0x122: {  	v2 =	vld.idx.msk [tilespmem:v2+s1+$0x0], $0xffff  }
0x123: {  	v7 =	vor.u32 $0x5, v4;
	v1 =	vadd.f32 $0.0e+00, v1  }
0x124: {  	v5 =	vld.idx.msk [tilespmem:v5+s1+$0x0], $0xffff  }
0x125: {  	v8 =	vor.u32 $0x6, v4;
	v1 =	vadd.f32 v3, v1  }
0x126: {  	v3 =	vld.idx.msk [tilespmem:v6+s1+$0x0], $0xffff  }
0x127: {  	v53 =	vor.u32 $0x7, v4;
	v1 =	vadd.f32 v2, v1  }
0x128: {  	v2 =	vld.idx.msk [tilespmem:v7+s1+$0x0], $0xffff  }
0x129: {  	v54 =	vor.u32 $0x8, v4;
	v1 =	vadd.f32 v5, v1  }
0x12a: {  	v55 =	vld.idx.msk [tilespmem:v8+s1+$0x0], $0xffff  }
0x12b: {  	v56 =	vor.u32 $0x9, v4;
	v1 =	vadd.f32 v3, v1  }
0x12c: {  	v3 =	vld.idx.msk [tilespmem:v53+s1+$0x0], $0xffff  }
0x12d: {  	v57 =	vor.u32 $0xA, v4;
	v1 =	vadd.f32 v2, v1  }
0x12e: {  	v2 =	vld.idx.msk [tilespmem:v54+s1+$0x0], $0xffff  }
0x12f: {  	v58 =	vor.u32 $0xB, v4;
	v1 =	vadd.f32 v55, v1  }
0x130: {  	v59 =	vld.idx.msk [tilespmem:v56+s1+$0x0], $0xffff  }
0x131: {  	v60 =	vor.u32 $0xC, v4;
	v1 =	vadd.f32 v3, v1  }
0x132: {  	v3 =	vld.idx.msk [tilespmem:v57+s1+$0x0], $0xffff  }
0x133: {  	v61 =	vor.u32 $0xD, v4;
	v1 =	vadd.f32 v2, v1  }
0x134: {  	v2 =	vld.idx.msk [tilespmem:v58+s1+$0x0], $0xffff  }
0x135: {  	v62 =	vor.u32 $0xE, v4;
	v1 =	vadd.f32 v59, v1  }
0x136: {  	v63 =	vld.idx.msk [tilespmem:v60+s1+$0x0], $0xffff  }
0x137: {  	v4 =	vor.u32 $0xF, v4;
	v1 =	vadd.f32 v3, v1  }
0x138: {  	v3 =	vld.idx.msk [tilespmem:v61+s1+$0x0], $0xffff  }
0x139: {  	v1 =	vadd.f32 v2, v1  }
0x13a: {  	v2 =	vld.idx.msk [tilespmem:v62+s1+$0x0], $0xffff  }
0x13b: {  	v1 =	vadd.f32 v63, v1  }
0x13c: {  	v4 =	vld.idx.msk [tilespmem:v4+s1+$0x0], $0xffff  }
0x13d: {  	s5 =	sadd.s32 $0x1, s5;
	v1 =	vadd.f32 v3, v1  }
0x13e: {  	p0 =	sne.s32 s5, $0x32  }
.Ltmp2:
0x13f: {  	v1 =	vadd.f32 v2, v1;
	(pc) =	sbr.rel @p0 .LBB2_2-.Ltmp2, $4  }
0x140: {  	_ = 	snop  }
0x141: {  	v1 =	vadd.f32 v4, v1  }
0x142: {  	s2 =	sadd.s32 $0x10, s2  }
0x143: {  	s4 =	sadd.s32 $0x80, s4;
	s0 =	sadd.s32 $0x80, s0;
	s8 =	simm.s32 $0x0;
	[tilespmem:s2+$0x0] =	vst v1  }
0x144: {  	s0 =	rddreg [dreg:$0xd];
	s2 =	simm.s32 $0x11780  }
0x145: {  	[hbm4b:s0+s8] =	stream.linear.scatter [tilespmem:s2], [sflag:$0x2], $0x1900, $0x38;
	[tilespmem:$0x13080] =	vst v63  }
0x146: {  	_ =	swait.ge [sflag:s20], $0x1900  }
0x147: {  	s30 =	rddreg [dreg:$0xf]  }
0x148: {  	s31 =	rddreg [dreg:$0xe];
	s2 =	sadd.s32 $0x1, s30  }
0x149: {  	p0 =	sne.s32 s2, s31  }
.Ltmp3:
0x14a: {  	_ = 	snop;
	(pc) =	sbr.rel @p0 .LBB2_1-.Ltmp3, $3  }
0x14b: {  	_ =	sdelay $0x1  }
0x14c: {  	[sflag:s20] =	ssyncset.done $0x0  }
0x14d: {  	[sflag:s20] =	ssyncadd.s32 $0xFFFFE700  }
0x14e: {  	_ =	sfence.sel $0x180000  }
0x14f: {  	[bflag:$0x0] =	sbarrier.arrive $0xFFFF  }
0x150: {  	_ =	strace $0x90000047  }
0x151: {  	s0 =	stileid.u32;
	[bflag:$0x2] =	sbarrier.arrive $0xFFFF  }
0x152: {  	p0 =	sne.s32 s0, $0x0;
	s0 =	rddreg [dreg:$0x2]  }
0x153: {  	s0 =	sadd.s32 @!p0 $0x100000, s0  }
0x154: {  	[sflag:s0] =	ssyncadd.tile.s32 @!p0 $0x1;
	_ =	shalt  }
.Lfunc_end2:
_tile_overlayer_lowered:
.L_overlay_start_2:
0x155: {  	(tag) =	ssettag $0x2  }
0x156: {  	s0 =	rddreg [dreg:$0x0];
	s2 =	stileid.u32  }
0x157: {  	s1 =	rddreg [dreg:$0x1];
	p0 =	sne.s32 s2, $0x0  }
0x158: {  	s3 =	rddreg [dreg:$0x2];
	[bflag:$0x3] =	sbarrier.arrive $0xFFFF;
	s2 =	simm.s32 @!p0 $0x1C02  }
0x159: {  	[timem:s3], [sflag:s2] =	dma.local @!p0 [hbm:s0], s1  }
0x15a: {  	s0 =	simm.s32 @!p0 $0x2  }
0x15b: {  	_ =	swait.ge @!p0 [sflag:s0], s1  }
0x15c: {  	s1 =	ssub.s32 @!p0 $0x0, s1;
	[sflag:s0] =	ssyncset.done @!p0 $0x0  }
0x15d: {  	[sflag:s0] =	ssyncadd.s32 @!p0 s1  }
0x15e: {  	[bflag:$0x3] =	sbarrier.arrive $0xFFFF  }
0x15f: {  	_ =	shalt  }

</sc_bundles>
